<compile_context>
chip_gen: v7x
topology: tpu7x:2x2x1
jax: 0.10.2.dev20260603
libtpu: 0.0.44.dev20260713+nightly
codegen_flags: <defaults>
</compile_context>

<pallas_src>
import functools

import jax
import jax.numpy as jnp
from jax import lax
from jax.experimental import pallas as pl
from jax.experimental.pallas import tpu as pltpu, tpu_sc as plsc

VOCAB = 100000
DIM = 128

N_CORES = 2
N_SUBCORES = 16
N_WORKERS = N_CORES * N_SUBCORES

N_SENT = 4096
SENT_LEN = 50
SENT_PER_W = N_SENT // N_WORKERS
NBUF = 6
SKEW = 3

_MESH = plsc.VectorSubcoreMesh(core_axis_name="c", subcore_axis_name="s")


@functools.partial(
    pl.kernel,
    out_type=jax.ShapeDtypeStruct((SENT_LEN, N_SENT, DIM), jnp.float32),
    mesh=_MESH,
    scratch_types=[
        pltpu.VMEM((SENT_LEN, SENT_PER_W), jnp.int32),
        pltpu.VMEM((NBUF, SENT_PER_W, DIM), jnp.float32),
        pltpu.SemaphoreType.DMA((NBUF,)),
        pltpu.SemaphoreType.DMA((NBUF,)),
        pltpu.SemaphoreType.DMA,
    ],
)
def _gather_kernel(idx_hbm, table_hbm, out_hbm, idx_v, rows_v, gsem, ssem,
                   isem):
    wid = lax.axis_index("s") * N_CORES + lax.axis_index("c")
    sent_base = wid * SENT_PER_W
    IDX_HEAD = 8
    pltpu.sync_copy(
        idx_hbm.at[pl.ds(0, IDX_HEAD), pl.ds(sent_base, SENT_PER_W)],
        idx_v.at[pl.ds(0, IDX_HEAD)])
    idx_rest = pltpu.make_async_copy(
        idx_hbm.at[pl.ds(IDX_HEAD, SENT_LEN - IDX_HEAD),
                   pl.ds(sent_base, SENT_PER_W)],
        idx_v.at[pl.ds(IDX_HEAD, SENT_LEN - IDX_HEAD)], isem)
    idx_rest.start()

    def gather(j):
        b = lax.rem(j, NBUF) if not isinstance(j, int) else j % NBUF
        return pltpu.make_async_copy(
            table_hbm.at[idx_v.at[j]], rows_v.at[b], gsem.at[b])

    def store(j):
        b = lax.rem(j, NBUF) if not isinstance(j, int) else j % NBUF
        return pltpu.make_async_copy(
            rows_v.at[b], out_hbm.at[j, pl.ds(sent_base, SENT_PER_W)],
            ssem.at[b])

    for i in range(SKEW):
        gather(i).start()
    for i in range(SKEW, NBUF):
        gather(i - SKEW).wait()
        store(i - SKEW).start()
        gather(i).start()

    idx_rest.wait()

    def steady(i, _):
        store(i - NBUF).wait()
        gather(i - SKEW).wait()
        store(i - SKEW).start()
        gather(i).start()
        return 0

    lax.fori_loop(NBUF, SENT_LEN, steady, 0, unroll=False)

    for i in range(SENT_LEN, SENT_LEN + SKEW):
        store(i - NBUF).wait()
        gather(i - SKEW).wait()
        store(i - SKEW).start()
    for j in range(SENT_LEN - NBUF + SKEW, SENT_LEN):
        store(j).wait()


def kernel(indices, table):
    idx = indices.astype(jnp.int32).T
    out = _gather_kernel(idx, table)
    return out.transpose(1, 0, 2)

# --- scband reference (transcript-rebuilt; emitter-appended) ---
"""Pipeline reference for scband-embedding-22239340659309 (READ-ONLY COPY).

The authoritative reference and input builder live on the scoring server;
editing this copy changes nothing except your own understanding.
"""

import jax, jax.numpy as jnp
import numpy as np

VOCAB = 100000
DIM = 128

def setup_inputs(seed: int = 0) -> dict:
    key = jax.random.key(seed)
    k_idx, k_tab = jax.random.split(key)
    indices = jax.random.randint(k_idx, (4096, 50), 0, VOCAB, dtype=jnp.int64)
    table = jax.random.normal(k_tab, (VOCAB, DIM), dtype=jnp.float32)
    return {"indices": indices, "table": table}

def reference(indices, table):
    # nn.Embedding forward: gather rows of the table by index
    return jnp.take(table, indices, axis=0)

if __name__ == "__main__":
    import jax
    _d = setup_inputs()
    print(jax.jit(kernel)(*tuple(_d.values())))

</pallas_src>

<mosaic_0001>
#map = affine_map<(d0, d1) -> (0, 0)>
#map1 = affine_map<(d0, d1) -> (0, 0, 0)>
module attributes {stable_mosaic.version = 14 : i64} {
  func.func @_gather_kernel(%arg0: i32, %arg1: i32, %arg2: memref<50x4096xi32, #tpu.memory_space<hbm>>, %arg3: memref<100000x128xf32, #tpu.memory_space<hbm>>, %arg4: memref<50x4096x128xf32, #tpu.memory_space<hbm>>, %arg5: memref<50x128xi32, #tpu.memory_space<vmem>>, %arg6: memref<6x128x128xf32, #tpu.memory_space<vmem>>, %arg7: memref<6x!tpu.dma_semaphore, #tpu.memory_space<semaphore_mem>>, %arg8: memref<6x!tpu.dma_semaphore, #tpu.memory_space<semaphore_mem>>, %arg9: memref<!tpu.dma_semaphore, #tpu.memory_space<semaphore_mem>>) attributes {dimension_semantics = [#tpu.dimension_semantics<core_parallel>, #tpu.dimension_semantics<subcore_parallel>], iteration_bounds = array<i64: 2, 16>, scalar_prefetch = 0 : i64, scratch_operands = 5 : i64, tpu.core_type = #tpu.core_type<sc_vector_subcore>, window_params = [{transform_indices = #map}, {transform_indices = #map}, {transform_indices = #map1}]} {
    %mul3A = arith.constant 2 : i32
    %mul3A_0 = arith.muli %arg1, %mul3A : i32
    %add3A = arith.addi %mul3A_0, %arg0 : i32
    %mul3A_1 = arith.constant 128 : i32
    %mul3A_2 = arith.muli %add3A, %mul3A_1 : i32
    "tpu.region"() ({
      %run_scoped3A = tpu.sem_alloc : memref<!tpu.dma_semaphore, #tpu.memory_space<semaphore_mem>>
      %dma_start3A_435 = arith.constant 0 : i32
      %dma_start3A_436 = arith.constant 0 : i32
      %dma_start3A_437 = tpu.memref_slice %arg5[%dma_start3A_435, %dma_start3A_436] : memref<50x128xi32, #tpu.memory_space<vmem>> -> memref<8x128xi32, #tpu.memory_space<vmem>>
      %dma_start3A_438 = arith.constant 0 : i32
      %dma_start3A_439 = tpu.memref_slice %arg2[%dma_start3A_438, %mul3A_2] : memref<50x4096xi32, #tpu.memory_space<hbm>> -> memref<8x128xi32, #tpu.memory_space<hbm>>
      %dma_start3A_440 = arith.constant 0 : i32
      %dma_start3A_441 = arith.constant 0 : i32
      %dma_start3A_442 = tpu.memref_slice %arg5[%dma_start3A_440, %dma_start3A_441] : memref<50x128xi32, #tpu.memory_space<vmem>> -> memref<8x128xi32, #tpu.memory_space<vmem>>
      %dma_start3A_443 = arith.constant 0 : i32
      %dma_start3A_444 = tpu.memref_slice %arg2[%dma_start3A_443, %mul3A_2] : memref<50x4096xi32, #tpu.memory_space<hbm>> -> memref<8x128xi32, #tpu.memory_space<hbm>>
      tpu.enqueue_dma source(%dma_start3A_444 : memref<8x128xi32, #tpu.memory_space<hbm>>) target(%dma_start3A_442 : memref<8x128xi32, #tpu.memory_space<vmem>>) target_semaphore(%run_scoped3A : memref<!tpu.dma_semaphore, #tpu.memory_space<semaphore_mem>>)
      %dma_wait3A_445 = arith.constant 0 : i32
      %dma_wait3A_446 = arith.constant 0 : i32
      %dma_wait3A_447 = tpu.memref_slice %arg5[%dma_wait3A_445, %dma_wait3A_446] : memref<50x128xi32, #tpu.memory_space<vmem>> -> memref<8x128xi32, #tpu.memory_space<vmem>>
      %dma_wait3A_448 = arith.constant 0 : i32
      %dma_wait3A_449 = tpu.memref_slice %arg2[%dma_wait3A_448, %mul3A_2] : memref<50x4096xi32, #tpu.memory_space<hbm>> -> memref<8x128xi32, #tpu.memory_space<hbm>>
      %dma_wait3A_450 = arith.constant 0 : i32
      %dma_wait3A_451 = arith.constant 0 : i32
      %dma_wait3A_452 = tpu.memref_slice %arg5[%dma_wait3A_450, %dma_wait3A_451] : memref<50x128xi32, #tpu.memory_space<vmem>> -> memref<8x128xi32, #tpu.memory_space<vmem>>
      %dma_wait3A_453 = arith.constant 0 : i32
      %dma_wait3A_454 = tpu.memref_slice %arg2[%dma_wait3A_453, %mul3A_2] : memref<50x4096xi32, #tpu.memory_space<hbm>> -> memref<8x128xi32, #tpu.memory_space<hbm>>
      tpu.wait_dma2 semaphore(%run_scoped3A : memref<!tpu.dma_semaphore, #tpu.memory_space<semaphore_mem>>) src(%dma_wait3A_454 : memref<8x128xi32, #tpu.memory_space<hbm>>) dst(%dma_wait3A_452 : memref<8x128xi32, #tpu.memory_space<vmem>>)
      tpu.yield
    }) : () -> ()
    %dma_start3A = arith.constant 8 : i32
    %dma_start3A_3 = arith.constant 0 : i32
    %dma_start3A_4 = tpu.memref_slice %arg5[%dma_start3A, %dma_start3A_3] : memref<50x128xi32, #tpu.memory_space<vmem>> -> memref<42x128xi32, #tpu.memory_space<vmem>>
    %dma_start3A_5 = arith.constant 8 : i32
    %dma_start3A_6 = tpu.memref_slice %arg2[%dma_start3A_5, %mul3A_2] : memref<50x4096xi32, #tpu.memory_space<hbm>> -> memref<42x128xi32, #tpu.memory_space<hbm>>
    %dma_start3A_7 = arith.constant 8 : i32
    %dma_start3A_8 = arith.constant 0 : i32
    %dma_start3A_9 = tpu.memref_slice %arg5[%dma_start3A_7, %dma_start3A_8] : memref<50x128xi32, #tpu.memory_space<vmem>> -> memref<42x128xi32, #tpu.memory_space<vmem>>
    %dma_start3A_10 = arith.constant 8 : i32
    %dma_start3A_11 = tpu.memref_slice %arg2[%dma_start3A_10, %mul3A_2] : memref<50x4096xi32, #tpu.memory_space<hbm>> -> memref<42x128xi32, #tpu.memory_space<hbm>>
    tpu.enqueue_dma source(%dma_start3A_11 : memref<42x128xi32, #tpu.memory_space<hbm>>) target(%dma_start3A_9 : memref<42x128xi32, #tpu.memory_space<vmem>>) target_semaphore(%arg9 : memref<!tpu.dma_semaphore, #tpu.memory_space<semaphore_mem>>)
    %dma_start3A_12 = arith.constant 0 : i32
    %dma_start3A_13 = arith.constant 0 : i32
    %dma_start3A_14 = arith.constant 0 : i32
    %dma_start3A_15 = arith.constant 0 : i32
    %dma_start3A_16 = arith.constant 0 : i32
    %dma_start3A_17 = tpu.memref_slice %arg6[%dma_start3A_13, %dma_start3A_15, %dma_start3A_16] : memref<6x128x128xf32, #tpu.memory_space<vmem>> -> memref<1x128x128xf32, #tpu.memory_space<vmem>>
    %dma_start3A_18 = tpu.memref_squeeze %dma_start3A_17 : memref<1x128x128xf32, #tpu.memory_space<vmem>> -> memref<128x128xf32, #tpu.memory_space<vmem>>
    %dma_start3A_19 = arith.constant 0 : i32
    %dma_start3A_20 = tpu.memref_slice %arg5[%dma_start3A_12, %dma_start3A_19] : memref<50x128xi32, #tpu.memory_space<vmem>> -> memref<1x128xi32, #tpu.memory_space<vmem>>
    %dma_start3A_21 = tpu.memref_squeeze %dma_start3A_20 : memref<1x128xi32, #tpu.memory_space<vmem>> -> memref<128xi32, #tpu.memory_space<vmem>>
    %dma_start3A_22 = arith.constant 0 : i32
    %dma_start3A_23 = arith.constant 0 : i32
    %dma_start3A_24 = tpu.memref_slice %arg3[%dma_start3A_22, %dma_start3A_23] : memref<100000x128xf32, #tpu.memory_space<hbm>> -> memref<100000x128xf32, #tpu.memory_space<hbm>>
    %dma_start3A_25 = tpu.memref_slice %arg7[%dma_start3A_14] : memref<6x!tpu.dma_semaphore, #tpu.memory_space<semaphore_mem>> -> memref<1x!tpu.dma_semaphore, #tpu.memory_space<semaphore_mem>>
    %dma_start3A_26 = tpu.memref_squeeze %dma_start3A_25 : memref<1x!tpu.dma_semaphore, #tpu.memory_space<semaphore_mem>> -> memref<!tpu.dma_semaphore, #tpu.memory_space<semaphore_mem>>
    tpu.enqueue_indirect_dma source(%dma_start3A_24 : memref<100000x128xf32, #tpu.memory_space<hbm>>) target(%dma_start3A_18 : memref<128x128xf32, #tpu.memory_space<vmem>>) offsets(%dma_start3A_21 : memref<128xi32, #tpu.memory_space<vmem>>) semaphore(%dma_start3A_26 : memref<!tpu.dma_semaphore, #tpu.memory_space<semaphore_mem>>)
    %dma_start3A_27 = arith.constant 1 : i32
    %dma_start3A_28 = arith.constant 1 : i32
    %dma_start3A_29 = arith.constant 1 : i32
    %dma_start3A_30 = arith.constant 0 : i32
    %dma_start3A_31 = arith.constant 0 : i32
    %dma_start3A_32 = tpu.memref_slice %arg6[%dma_start3A_28, %dma_start3A_30, %dma_start3A_31] : memref<6x128x128xf32, #tpu.memory_space<vmem>> -> memref<1x128x128xf32, #tpu.memory_space<vmem>>
    %dma_start3A_33 = tpu.memref_squeeze %dma_start3A_32 : memref<1x128x128xf32, #tpu.memory_space<vmem>> -> memref<128x128xf32, #tpu.memory_space<vmem>>
    %dma_start3A_34 = arith.constant 0 : i32
    %dma_start3A_35 = tpu.memref_slice %arg5[%dma_start3A_27, %dma_start3A_34] : memref<50x128xi32, #tpu.memory_space<vmem>> -> memref<1x128xi32, #tpu.memory_space<vmem>>
    %dma_start3A_36 = tpu.memref_squeeze %dma_start3A_35 : memref<1x128xi32, #tpu.memory_space<vmem>> -> memref<128xi32, #tpu.memory_space<vmem>>
    %dma_start3A_37 = arith.constant 0 : i32
    %dma_start3A_38 = arith.constant 0 : i32
    %dma_start3A_39 = tpu.memref_slice %arg3[%dma_start3A_37, %dma_start3A_38] : memref<100000x128xf32, #tpu.memory_space<hbm>> -> memref<100000x128xf32, #tpu.memory_space<hbm>>
    %dma_start3A_40 = tpu.memref_slice %arg7[%dma_start3A_29] : memref<6x!tpu.dma_semaphore, #tpu.memory_space<semaphore_mem>> -> memref<1x!tpu.dma_semaphore, #tpu.memory_space<semaphore_mem>>
    %dma_start3A_41 = tpu.memref_squeeze %dma_start3A_40 : memref<1x!tpu.dma_semaphore, #tpu.memory_space<semaphore_mem>> -> memref<!tpu.dma_semaphore, #tpu.memory_space<semaphore_mem>>
    tpu.enqueue_indirect_dma source(%dma_start3A_39 : memref<100000x128xf32, #tpu.memory_space<hbm>>) target(%dma_start3A_33 : memref<128x128xf32, #tpu.memory_space<vmem>>) offsets(%dma_start3A_36 : memref<128xi32, #tpu.memory_space<vmem>>) semaphore(%dma_start3A_41 : memref<!tpu.dma_semaphore, #tpu.memory_space<semaphore_mem>>)
    %dma_start3A_42 = arith.constant 2 : i32
    %dma_start3A_43 = arith.constant 2 : i32
    %dma_start3A_44 = arith.constant 2 : i32
    %dma_start3A_45 = arith.constant 0 : i32
    %dma_start3A_46 = arith.constant 0 : i32
    %dma_start3A_47 = tpu.memref_slice %arg6[%dma_start3A_43, %dma_start3A_45, %dma_start3A_46] : memref<6x128x128xf32, #tpu.memory_space<vmem>> -> memref<1x128x128xf32, #tpu.memory_space<vmem>>
    %dma_start3A_48 = tpu.memref_squeeze %dma_start3A_47 : memref<1x128x128xf32, #tpu.memory_space<vmem>> -> memref<128x128xf32, #tpu.memory_space<vmem>>
    %dma_start3A_49 = arith.constant 0 : i32
    %dma_start3A_50 = tpu.memref_slice %arg5[%dma_start3A_42, %dma_start3A_49] : memref<50x128xi32, #tpu.memory_space<vmem>> -> memref<1x128xi32, #tpu.memory_space<vmem>>
    %dma_start3A_51 = tpu.memref_squeeze %dma_start3A_50 : memref<1x128xi32, #tpu.memory_space<vmem>> -> memref<128xi32, #tpu.memory_space<vmem>>
    %dma_start3A_52 = arith.constant 0 : i32
    %dma_start3A_53 = arith.constant 0 : i32
    %dma_start3A_54 = tpu.memref_slice %arg3[%dma_start3A_52, %dma_start3A_53] : memref<100000x128xf32, #tpu.memory_space<hbm>> -> memref<100000x128xf32, #tpu.memory_space<hbm>>
    %dma_start3A_55 = tpu.memref_slice %arg7[%dma_start3A_44] : memref<6x!tpu.dma_semaphore, #tpu.memory_space<semaphore_mem>> -> memref<1x!tpu.dma_semaphore, #tpu.memory_space<semaphore_mem>>
    %dma_start3A_56 = tpu.memref_squeeze %dma_start3A_55 : memref<1x!tpu.dma_semaphore, #tpu.memory_space<semaphore_mem>> -> memref<!tpu.dma_semaphore, #tpu.memory_space<semaphore_mem>>
    tpu.enqueue_indirect_dma source(%dma_start3A_54 : memref<100000x128xf32, #tpu.memory_space<hbm>>) target(%dma_start3A_48 : memref<128x128xf32, #tpu.memory_space<vmem>>) offsets(%dma_start3A_51 : memref<128xi32, #tpu.memory_space<vmem>>) semaphore(%dma_start3A_56 : memref<!tpu.dma_semaphore, #tpu.memory_space<semaphore_mem>>)
    %dma_wait3A = arith.constant 0 : i32
    %dma_wait3A_57 = arith.constant 0 : i32
    %dma_wait3A_58 = arith.constant 0 : i32
    %dma_wait3A_59 = arith.constant 0 : i32
    %dma_wait3A_60 = arith.constant 0 : i32
    %dma_wait3A_61 = tpu.memref_slice %arg6[%dma_wait3A_57, %dma_wait3A_59, %dma_wait3A_60] : memref<6x128x128xf32, #tpu.memory_space<vmem>> -> memref<1x128x128xf32, #tpu.memory_space<vmem>>
    %dma_wait3A_62 = tpu.memref_squeeze %dma_wait3A_61 : memref<1x128x128xf32, #tpu.memory_space<vmem>> -> memref<128x128xf32, #tpu.memory_space<vmem>>
    %dma_wait3A_63 = arith.constant 0 : i32
    %dma_wait3A_64 = tpu.memref_slice %arg5[%dma_wait3A, %dma_wait3A_63] : memref<50x128xi32, #tpu.memory_space<vmem>> -> memref<1x128xi32, #tpu.memory_space<vmem>>
    %dma_wait3A_65 = tpu.memref_squeeze %dma_wait3A_64 : memref<1x128xi32, #tpu.memory_space<vmem>> -> memref<128xi32, #tpu.memory_space<vmem>>
    %dma_wait3A_66 = arith.constant 0 : i32
    %dma_wait3A_67 = arith.constant 0 : i32
    %dma_wait3A_68 = tpu.memref_slice %arg3[%dma_wait3A_66, %dma_wait3A_67] : memref<100000x128xf32, #tpu.memory_space<hbm>> -> memref<100000x128xf32, #tpu.memory_space<hbm>>
    %dma_wait3A_69 = tpu.memref_slice %arg7[%dma_wait3A_58] : memref<6x!tpu.dma_semaphore, #tpu.memory_space<semaphore_mem>> -> memref<1x!tpu.dma_semaphore, #tpu.memory_space<semaphore_mem>>
    %dma_wait3A_70 = tpu.memref_squeeze %dma_wait3A_69 : memref<1x!tpu.dma_semaphore, #tpu.memory_space<semaphore_mem>> -> memref<!tpu.dma_semaphore, #tpu.memory_space<semaphore_mem>>
    tpu.wait_indirect_dma semaphore(%dma_wait3A_70 : memref<!tpu.dma_semaphore, #tpu.memory_space<semaphore_mem>>) src(%dma_wait3A_68 : memref<100000x128xf32, #tpu.memory_space<hbm>>) dst(%dma_wait3A_62 : memref<128x128xf32, #tpu.memory_space<vmem>>)
    %dma_start3A_71 = arith.constant 0 : i32
    %dma_start3A_72 = arith.constant 0 : i32
    %dma_start3A_73 = arith.constant 0 : i32
    %dma_start3A_74 = arith.constant 0 : i32
    %dma_start3A_75 = arith.constant 0 : i32
    %dma_start3A_76 = tpu.memref_slice %arg6[%dma_start3A_71, %dma_start3A_74, %dma_start3A_75] : memref<6x128x128xf32, #tpu.memory_space<vmem>> -> memref<1x128x128xf32, #tpu.memory_space<vmem>>
    %dma_start3A_77 = tpu.memref_squeeze %dma_start3A_76 : memref<1x128x128xf32, #tpu.memory_space<vmem>> -> memref<128x128xf32, #tpu.memory_space<vmem>>
    %dma_start3A_78 = arith.constant 0 : i32
    %dma_start3A_79 = tpu.memref_slice %arg4[%dma_start3A_72, %mul3A_2, %dma_start3A_78] : memref<50x4096x128xf32, #tpu.memory_space<hbm>> -> memref<1x128x128xf32, #tpu.memory_space<hbm>>
    %dma_start3A_80 = tpu.memref_squeeze %dma_start3A_79 : memref<1x128x128xf32, #tpu.memory_space<hbm>> -> memref<128x128xf32, #tpu.memory_space<hbm>>
    %dma_start3A_81 = tpu.memref_slice %arg8[%dma_start3A_73] : memref<6x!tpu.dma_semaphore, #tpu.memory_space<semaphore_mem>> -> memref<1x!tpu.dma_semaphore, #tpu.memory_space<semaphore_mem>>
    %dma_start3A_82 = tpu.memref_squeeze %dma_start3A_81 : memref<1x!tpu.dma_semaphore, #tpu.memory_space<semaphore_mem>> -> memref<!tpu.dma_semaphore, #tpu.memory_space<semaphore_mem>>
    %dma_start3A_83 = arith.constant 0 : i32
    %dma_start3A_84 = tpu.memref_slice %arg4[%dma_start3A_72, %mul3A_2, %dma_start3A_83] : memref<50x4096x128xf32, #tpu.memory_space<hbm>> -> memref<1x128x128xf32, #tpu.memory_space<hbm>>
    %dma_start3A_85 = tpu.memref_squeeze %dma_start3A_84 : memref<1x128x128xf32, #tpu.memory_space<hbm>> -> memref<128x128xf32, #tpu.memory_space<hbm>>
    %dma_start3A_86 = arith.constant 0 : i32
    %dma_start3A_87 = arith.constant 0 : i32
    %dma_start3A_88 = tpu.memref_slice %arg6[%dma_start3A_71, %dma_start3A_86, %dma_start3A_87] : memref<6x128x128xf32, #tpu.memory_space<vmem>> -> memref<1x128x128xf32, #tpu.memory_space<vmem>>
    %dma_start3A_89 = tpu.memref_squeeze %dma_start3A_88 : memref<1x128x128xf32, #tpu.memory_space<vmem>> -> memref<128x128xf32, #tpu.memory_space<vmem>>
    tpu.enqueue_dma source(%dma_start3A_89 : memref<128x128xf32, #tpu.memory_space<vmem>>) target(%dma_start3A_85 : memref<128x128xf32, #tpu.memory_space<hbm>>) target_semaphore(%dma_start3A_82 : memref<!tpu.dma_semaphore, #tpu.memory_space<semaphore_mem>>)
    %dma_start3A_90 = arith.constant 3 : i32
    %dma_start3A_91 = arith.constant 3 : i32
    %dma_start3A_92 = arith.constant 3 : i32
    %dma_start3A_93 = arith.constant 0 : i32
    %dma_start3A_94 = arith.constant 0 : i32
    %dma_start3A_95 = tpu.memref_slice %arg6[%dma_start3A_91, %dma_start3A_93, %dma_start3A_94] : memref<6x128x128xf32, #tpu.memory_space<vmem>> -> memref<1x128x128xf32, #tpu.memory_space<vmem>>
    %dma_start3A_96 = tpu.memref_squeeze %dma_start3A_95 : memref<1x128x128xf32, #tpu.memory_space<vmem>> -> memref<128x128xf32, #tpu.memory_space<vmem>>
    %dma_start3A_97 = arith.constant 0 : i32
    %dma_start3A_98 = tpu.memref_slice %arg5[%dma_start3A_90, %dma_start3A_97] : memref<50x128xi32, #tpu.memory_space<vmem>> -> memref<1x128xi32, #tpu.memory_space<vmem>>
    %dma_start3A_99 = tpu.memref_squeeze %dma_start3A_98 : memref<1x128xi32, #tpu.memory_space<vmem>> -> memref<128xi32, #tpu.memory_space<vmem>>
    %dma_start3A_100 = arith.constant 0 : i32
    %dma_start3A_101 = arith.constant 0 : i32
    %dma_start3A_102 = tpu.memref_slice %arg3[%dma_start3A_100, %dma_start3A_101] : memref<100000x128xf32, #tpu.memory_space<hbm>> -> memref<100000x128xf32, #tpu.memory_space<hbm>>
    %dma_start3A_103 = tpu.memref_slice %arg7[%dma_start3A_92] : memref<6x!tpu.dma_semaphore, #tpu.memory_space<semaphore_mem>> -> memref<1x!tpu.dma_semaphore, #tpu.memory_space<semaphore_mem>>
    %dma_start3A_104 = tpu.memref_squeeze %dma_start3A_103 : memref<1x!tpu.dma_semaphore, #tpu.memory_space<semaphore_mem>> -> memref<!tpu.dma_semaphore, #tpu.memory_space<semaphore_mem>>
    tpu.enqueue_indirect_dma source(%dma_start3A_102 : memref<100000x128xf32, #tpu.memory_space<hbm>>) target(%dma_start3A_96 : memref<128x128xf32, #tpu.memory_space<vmem>>) offsets(%dma_start3A_99 : memref<128xi32, #tpu.memory_space<vmem>>) semaphore(%dma_start3A_104 : memref<!tpu.dma_semaphore, #tpu.memory_space<semaphore_mem>>)
    %dma_wait3A_105 = arith.constant 1 : i32
    %dma_wait3A_106 = arith.constant 1 : i32
    %dma_wait3A_107 = arith.constant 1 : i32
    %dma_wait3A_108 = arith.constant 0 : i32
    %dma_wait3A_109 = arith.constant 0 : i32
    %dma_wait3A_110 = tpu.memref_slice %arg6[%dma_wait3A_106, %dma_wait3A_108, %dma_wait3A_109] : memref<6x128x128xf32, #tpu.memory_space<vmem>> -> memref<1x128x128xf32, #tpu.memory_space<vmem>>
    %dma_wait3A_111 = tpu.memref_squeeze %dma_wait3A_110 : memref<1x128x128xf32, #tpu.memory_space<vmem>> -> memref<128x128xf32, #tpu.memory_space<vmem>>
    %dma_wait3A_112 = arith.constant 0 : i32
    %dma_wait3A_113 = tpu.memref_slice %arg5[%dma_wait3A_105, %dma_wait3A_112] : memref<50x128xi32, #tpu.memory_space<vmem>> -> memref<1x128xi32, #tpu.memory_space<vmem>>
    %dma_wait3A_114 = tpu.memref_squeeze %dma_wait3A_113 : memref<1x128xi32, #tpu.memory_space<vmem>> -> memref<128xi32, #tpu.memory_space<vmem>>
    %dma_wait3A_115 = arith.constant 0 : i32
    %dma_wait3A_116 = arith.constant 0 : i32
    %dma_wait3A_117 = tpu.memref_slice %arg3[%dma_wait3A_115, %dma_wait3A_116] : memref<100000x128xf32, #tpu.memory_space<hbm>> -> memref<100000x128xf32, #tpu.memory_space<hbm>>
    %dma_wait3A_118 = tpu.memref_slice %arg7[%dma_wait3A_107] : memref<6x!tpu.dma_semaphore, #tpu.memory_space<semaphore_mem>> -> memref<1x!tpu.dma_semaphore, #tpu.memory_space<semaphore_mem>>
    %dma_wait3A_119 = tpu.memref_squeeze %dma_wait3A_118 : memref<1x!tpu.dma_semaphore, #tpu.memory_space<semaphore_mem>> -> memref<!tpu.dma_semaphore, #tpu.memory_space<semaphore_mem>>
    tpu.wait_indirect_dma semaphore(%dma_wait3A_119 : memref<!tpu.dma_semaphore, #tpu.memory_space<semaphore_mem>>) src(%dma_wait3A_117 : memref<100000x128xf32, #tpu.memory_space<hbm>>) dst(%dma_wait3A_111 : memref<128x128xf32, #tpu.memory_space<vmem>>)
    %dma_start3A_120 = arith.constant 1 : i32
    %dma_start3A_121 = arith.constant 1 : i32
    %dma_start3A_122 = arith.constant 1 : i32
    %dma_start3A_123 = arith.constant 0 : i32
    %dma_start3A_124 = arith.constant 0 : i32
    %dma_start3A_125 = tpu.memref_slice %arg6[%dma_start3A_120, %dma_start3A_123, %dma_start3A_124] : memref<6x128x128xf32, #tpu.memory_space<vmem>> -> memref<1x128x128xf32, #tpu.memory_space<vmem>>
    %dma_start3A_126 = tpu.memref_squeeze %dma_start3A_125 : memref<1x128x128xf32, #tpu.memory_space<vmem>> -> memref<128x128xf32, #tpu.memory_space<vmem>>
    %dma_start3A_127 = arith.constant 0 : i32
    %dma_start3A_128 = tpu.memref_slice %arg4[%dma_start3A_121, %mul3A_2, %dma_start3A_127] : memref<50x4096x128xf32, #tpu.memory_space<hbm>> -> memref<1x128x128xf32, #tpu.memory_space<hbm>>
    %dma_start3A_129 = tpu.memref_squeeze %dma_start3A_128 : memref<1x128x128xf32, #tpu.memory_space<hbm>> -> memref<128x128xf32, #tpu.memory_space<hbm>>
    %dma_start3A_130 = tpu.memref_slice %arg8[%dma_start3A_122] : memref<6x!tpu.dma_semaphore, #tpu.memory_space<semaphore_mem>> -> memref<1x!tpu.dma_semaphore, #tpu.memory_space<semaphore_mem>>
    %dma_start3A_131 = tpu.memref_squeeze %dma_start3A_130 : memref<1x!tpu.dma_semaphore, #tpu.memory_space<semaphore_mem>> -> memref<!tpu.dma_semaphore, #tpu.memory_space<semaphore_mem>>
    %dma_start3A_132 = arith.constant 0 : i32
    %dma_start3A_133 = tpu.memref_slice %arg4[%dma_start3A_121, %mul3A_2, %dma_start3A_132] : memref<50x4096x128xf32, #tpu.memory_space<hbm>> -> memref<1x128x128xf32, #tpu.memory_space<hbm>>
    %dma_start3A_134 = tpu.memref_squeeze %dma_start3A_133 : memref<1x128x128xf32, #tpu.memory_space<hbm>> -> memref<128x128xf32, #tpu.memory_space<hbm>>
    %dma_start3A_135 = arith.constant 0 : i32
    %dma_start3A_136 = arith.constant 0 : i32
    %dma_start3A_137 = tpu.memref_slice %arg6[%dma_start3A_120, %dma_start3A_135, %dma_start3A_136] : memref<6x128x128xf32, #tpu.memory_space<vmem>> -> memref<1x128x128xf32, #tpu.memory_space<vmem>>
    %dma_start3A_138 = tpu.memref_squeeze %dma_start3A_137 : memref<1x128x128xf32, #tpu.memory_space<vmem>> -> memref<128x128xf32, #tpu.memory_space<vmem>>
    tpu.enqueue_dma source(%dma_start3A_138 : memref<128x128xf32, #tpu.memory_space<vmem>>) target(%dma_start3A_134 : memref<128x128xf32, #tpu.memory_space<hbm>>) target_semaphore(%dma_start3A_131 : memref<!tpu.dma_semaphore, #tpu.memory_space<semaphore_mem>>)
    %dma_start3A_139 = arith.constant 4 : i32
    %dma_start3A_140 = arith.constant 4 : i32
    %dma_start3A_141 = arith.constant 4 : i32
    %dma_start3A_142 = arith.constant 0 : i32
    %dma_start3A_143 = arith.constant 0 : i32
    %dma_start3A_144 = tpu.memref_slice %arg6[%dma_start3A_140, %dma_start3A_142, %dma_start3A_143] : memref<6x128x128xf32, #tpu.memory_space<vmem>> -> memref<1x128x128xf32, #tpu.memory_space<vmem>>
    %dma_start3A_145 = tpu.memref_squeeze %dma_start3A_144 : memref<1x128x128xf32, #tpu.memory_space<vmem>> -> memref<128x128xf32, #tpu.memory_space<vmem>>
    %dma_start3A_146 = arith.constant 0 : i32
    %dma_start3A_147 = tpu.memref_slice %arg5[%dma_start3A_139, %dma_start3A_146] : memref<50x128xi32, #tpu.memory_space<vmem>> -> memref<1x128xi32, #tpu.memory_space<vmem>>
    %dma_start3A_148 = tpu.memref_squeeze %dma_start3A_147 : memref<1x128xi32, #tpu.memory_space<vmem>> -> memref<128xi32, #tpu.memory_space<vmem>>
    %dma_start3A_149 = arith.constant 0 : i32
    %dma_start3A_150 = arith.constant 0 : i32
    %dma_start3A_151 = tpu.memref_slice %arg3[%dma_start3A_149, %dma_start3A_150] : memref<100000x128xf32, #tpu.memory_space<hbm>> -> memref<100000x128xf32, #tpu.memory_space<hbm>>
    %dma_start3A_152 = tpu.memref_slice %arg7[%dma_start3A_141] : memref<6x!tpu.dma_semaphore, #tpu.memory_space<semaphore_mem>> -> memref<1x!tpu.dma_semaphore, #tpu.memory_space<semaphore_mem>>
    %dma_start3A_153 = tpu.memref_squeeze %dma_start3A_152 : memref<1x!tpu.dma_semaphore, #tpu.memory_space<semaphore_mem>> -> memref<!tpu.dma_semaphore, #tpu.memory_space<semaphore_mem>>
    tpu.enqueue_indirect_dma source(%dma_start3A_151 : memref<100000x128xf32, #tpu.memory_space<hbm>>) target(%dma_start3A_145 : memref<128x128xf32, #tpu.memory_space<vmem>>) offsets(%dma_start3A_148 : memref<128xi32, #tpu.memory_space<vmem>>) semaphore(%dma_start3A_153 : memref<!tpu.dma_semaphore, #tpu.memory_space<semaphore_mem>>)
    %dma_wait3A_154 = arith.constant 2 : i32
    %dma_wait3A_155 = arith.constant 2 : i32
    %dma_wait3A_156 = arith.constant 2 : i32
    %dma_wait3A_157 = arith.constant 0 : i32
    %dma_wait3A_158 = arith.constant 0 : i32
    %dma_wait3A_159 = tpu.memref_slice %arg6[%dma_wait3A_155, %dma_wait3A_157, %dma_wait3A_158] : memref<6x128x128xf32, #tpu.memory_space<vmem>> -> memref<1x128x128xf32, #tpu.memory_space<vmem>>
    %dma_wait3A_160 = tpu.memref_squeeze %dma_wait3A_159 : memref<1x128x128xf32, #tpu.memory_space<vmem>> -> memref<128x128xf32, #tpu.memory_space<vmem>>
    %dma_wait3A_161 = arith.constant 0 : i32
    %dma_wait3A_162 = tpu.memref_slice %arg5[%dma_wait3A_154, %dma_wait3A_161] : memref<50x128xi32, #tpu.memory_space<vmem>> -> memref<1x128xi32, #tpu.memory_space<vmem>>
    %dma_wait3A_163 = tpu.memref_squeeze %dma_wait3A_162 : memref<1x128xi32, #tpu.memory_space<vmem>> -> memref<128xi32, #tpu.memory_space<vmem>>
    %dma_wait3A_164 = arith.constant 0 : i32
    %dma_wait3A_165 = arith.constant 0 : i32
    %dma_wait3A_166 = tpu.memref_slice %arg3[%dma_wait3A_164, %dma_wait3A_165] : memref<100000x128xf32, #tpu.memory_space<hbm>> -> memref<100000x128xf32, #tpu.memory_space<hbm>>
    %dma_wait3A_167 = tpu.memref_slice %arg7[%dma_wait3A_156] : memref<6x!tpu.dma_semaphore, #tpu.memory_space<semaphore_mem>> -> memref<1x!tpu.dma_semaphore, #tpu.memory_space<semaphore_mem>>
    %dma_wait3A_168 = tpu.memref_squeeze %dma_wait3A_167 : memref<1x!tpu.dma_semaphore, #tpu.memory_space<semaphore_mem>> -> memref<!tpu.dma_semaphore, #tpu.memory_space<semaphore_mem>>
    tpu.wait_indirect_dma semaphore(%dma_wait3A_168 : memref<!tpu.dma_semaphore, #tpu.memory_space<semaphore_mem>>) src(%dma_wait3A_166 : memref<100000x128xf32, #tpu.memory_space<hbm>>) dst(%dma_wait3A_160 : memref<128x128xf32, #tpu.memory_space<vmem>>)
    %dma_start3A_169 = arith.constant 2 : i32
    %dma_start3A_170 = arith.constant 2 : i32
    %dma_start3A_171 = arith.constant 2 : i32
    %dma_start3A_172 = arith.constant 0 : i32
    %dma_start3A_173 = arith.constant 0 : i32
    %dma_start3A_174 = tpu.memref_slice %arg6[%dma_start3A_169, %dma_start3A_172, %dma_start3A_173] : memref<6x128x128xf32, #tpu.memory_space<vmem>> -> memref<1x128x128xf32, #tpu.memory_space<vmem>>
    %dma_start3A_175 = tpu.memref_squeeze %dma_start3A_174 : memref<1x128x128xf32, #tpu.memory_space<vmem>> -> memref<128x128xf32, #tpu.memory_space<vmem>>
    %dma_start3A_176 = arith.constant 0 : i32
    %dma_start3A_177 = tpu.memref_slice %arg4[%dma_start3A_170, %mul3A_2, %dma_start3A_176] : memref<50x4096x128xf32, #tpu.memory_space<hbm>> -> memref<1x128x128xf32, #tpu.memory_space<hbm>>
    %dma_start3A_178 = tpu.memref_squeeze %dma_start3A_177 : memref<1x128x128xf32, #tpu.memory_space<hbm>> -> memref<128x128xf32, #tpu.memory_space<hbm>>
    %dma_start3A_179 = tpu.memref_slice %arg8[%dma_start3A_171] : memref<6x!tpu.dma_semaphore, #tpu.memory_space<semaphore_mem>> -> memref<1x!tpu.dma_semaphore, #tpu.memory_space<semaphore_mem>>
    %dma_start3A_180 = tpu.memref_squeeze %dma_start3A_179 : memref<1x!tpu.dma_semaphore, #tpu.memory_space<semaphore_mem>> -> memref<!tpu.dma_semaphore, #tpu.memory_space<semaphore_mem>>
    %dma_start3A_181 = arith.constant 0 : i32
    %dma_start3A_182 = tpu.memref_slice %arg4[%dma_start3A_170, %mul3A_2, %dma_start3A_181] : memref<50x4096x128xf32, #tpu.memory_space<hbm>> -> memref<1x128x128xf32, #tpu.memory_space<hbm>>
    %dma_start3A_183 = tpu.memref_squeeze %dma_start3A_182 : memref<1x128x128xf32, #tpu.memory_space<hbm>> -> memref<128x128xf32, #tpu.memory_space<hbm>>
    %dma_start3A_184 = arith.constant 0 : i32
    %dma_start3A_185 = arith.constant 0 : i32
    %dma_start3A_186 = tpu.memref_slice %arg6[%dma_start3A_169, %dma_start3A_184, %dma_start3A_185] : memref<6x128x128xf32, #tpu.memory_space<vmem>> -> memref<1x128x128xf32, #tpu.memory_space<vmem>>
    %dma_start3A_187 = tpu.memref_squeeze %dma_start3A_186 : memref<1x128x128xf32, #tpu.memory_space<vmem>> -> memref<128x128xf32, #tpu.memory_space<vmem>>
    tpu.enqueue_dma source(%dma_start3A_187 : memref<128x128xf32, #tpu.memory_space<vmem>>) target(%dma_start3A_183 : memref<128x128xf32, #tpu.memory_space<hbm>>) target_semaphore(%dma_start3A_180 : memref<!tpu.dma_semaphore, #tpu.memory_space<semaphore_mem>>)
    %dma_start3A_188 = arith.constant 5 : i32
    %dma_start3A_189 = arith.constant 5 : i32
    %dma_start3A_190 = arith.constant 5 : i32
    %dma_start3A_191 = arith.constant 0 : i32
    %dma_start3A_192 = arith.constant 0 : i32
    %dma_start3A_193 = tpu.memref_slice %arg6[%dma_start3A_189, %dma_start3A_191, %dma_start3A_192] : memref<6x128x128xf32, #tpu.memory_space<vmem>> -> memref<1x128x128xf32, #tpu.memory_space<vmem>>
    %dma_start3A_194 = tpu.memref_squeeze %dma_start3A_193 : memref<1x128x128xf32, #tpu.memory_space<vmem>> -> memref<128x128xf32, #tpu.memory_space<vmem>>
    %dma_start3A_195 = arith.constant 0 : i32
    %dma_start3A_196 = tpu.memref_slice %arg5[%dma_start3A_188, %dma_start3A_195] : memref<50x128xi32, #tpu.memory_space<vmem>> -> memref<1x128xi32, #tpu.memory_space<vmem>>
    %dma_start3A_197 = tpu.memref_squeeze %dma_start3A_196 : memref<1x128xi32, #tpu.memory_space<vmem>> -> memref<128xi32, #tpu.memory_space<vmem>>
    %dma_start3A_198 = arith.constant 0 : i32
    %dma_start3A_199 = arith.constant 0 : i32
    %dma_start3A_200 = tpu.memref_slice %arg3[%dma_start3A_198, %dma_start3A_199] : memref<100000x128xf32, #tpu.memory_space<hbm>> -> memref<100000x128xf32, #tpu.memory_space<hbm>>
    %dma_start3A_201 = tpu.memref_slice %arg7[%dma_start3A_190] : memref<6x!tpu.dma_semaphore, #tpu.memory_space<semaphore_mem>> -> memref<1x!tpu.dma_semaphore, #tpu.memory_space<semaphore_mem>>
    %dma_start3A_202 = tpu.memref_squeeze %dma_start3A_201 : memref<1x!tpu.dma_semaphore, #tpu.memory_space<semaphore_mem>> -> memref<!tpu.dma_semaphore, #tpu.memory_space<semaphore_mem>>
    tpu.enqueue_indirect_dma source(%dma_start3A_200 : memref<100000x128xf32, #tpu.memory_space<hbm>>) target(%dma_start3A_194 : memref<128x128xf32, #tpu.memory_space<vmem>>) offsets(%dma_start3A_197 : memref<128xi32, #tpu.memory_space<vmem>>) semaphore(%dma_start3A_202 : memref<!tpu.dma_semaphore, #tpu.memory_space<semaphore_mem>>)
    %dma_wait3A_203 = arith.constant 8 : i32
    %dma_wait3A_204 = arith.constant 0 : i32
    %dma_wait3A_205 = tpu.memref_slice %arg5[%dma_wait3A_203, %dma_wait3A_204] : memref<50x128xi32, #tpu.memory_space<vmem>> -> memref<42x128xi32, #tpu.memory_space<vmem>>
    %dma_wait3A_206 = arith.constant 8 : i32
    %dma_wait3A_207 = tpu.memref_slice %arg2[%dma_wait3A_206, %mul3A_2] : memref<50x4096xi32, #tpu.memory_space<hbm>> -> memref<42x128xi32, #tpu.memory_space<hbm>>
    %dma_wait3A_208 = arith.constant 8 : i32
    %dma_wait3A_209 = arith.constant 0 : i32
    %dma_wait3A_210 = tpu.memref_slice %arg5[%dma_wait3A_208, %dma_wait3A_209] : memref<50x128xi32, #tpu.memory_space<vmem>> -> memref<42x128xi32, #tpu.memory_space<vmem>>
    %dma_wait3A_211 = arith.constant 8 : i32
    %dma_wait3A_212 = tpu.memref_slice %arg2[%dma_wait3A_211, %mul3A_2] : memref<50x4096xi32, #tpu.memory_space<hbm>> -> memref<42x128xi32, #tpu.memory_space<hbm>>
    tpu.wait_dma2 semaphore(%arg9 : memref<!tpu.dma_semaphore, #tpu.memory_space<semaphore_mem>>) src(%dma_wait3A_212 : memref<42x128xi32, #tpu.memory_space<hbm>>) dst(%dma_wait3A_210 : memref<42x128xi32, #tpu.memory_space<vmem>>)
    %scan3A = arith.constant 0 : i32
    %scan3A_213 = arith.constant 6 : i32
    %scan3A_214 = arith.constant 44 : i32
    %scan3A_215 = arith.addi %scan3A_213, %scan3A_214 : i32
    %scan3A_216 = arith.constant 1 : i32
    %scan3A_217 = scf.for %scan3A_435 = %scan3A_213 to %scan3A_215 step %scan3A_216 iter_args(%scan3A_436 = %scan3A) -> (i32)  : i32 {
      %sub3A = arith.constant 6 : i32
      %sub3A_437 = arith.subi %scan3A_435, %sub3A : i32
      %rem3A = arith.constant 6 : i32
      %rem3A_438 = arith.remsi %sub3A_437, %rem3A : i32
      %dma_wait3A_439 = arith.constant 0 : i32
      %dma_wait3A_440 = arith.constant 0 : i32
      %dma_wait3A_441 = tpu.memref_slice %arg6[%rem3A_438, %dma_wait3A_439, %dma_wait3A_440] : memref<6x128x128xf32, #tpu.memory_space<vmem>> -> memref<1x128x128xf32, #tpu.memory_space<vmem>>
      %dma_wait3A_442 = tpu.memref_squeeze %dma_wait3A_441 : memref<1x128x128xf32, #tpu.memory_space<vmem>> -> memref<128x128xf32, #tpu.memory_space<vmem>>
      %dma_wait3A_443 = arith.constant 0 : i32
      %dma_wait3A_444 = tpu.memref_slice %arg4[%sub3A_437, %mul3A_2, %dma_wait3A_443] : memref<50x4096x128xf32, #tpu.memory_space<hbm>> -> memref<1x128x128xf32, #tpu.memory_space<hbm>>
      %dma_wait3A_445 = tpu.memref_squeeze %dma_wait3A_444 : memref<1x128x128xf32, #tpu.memory_space<hbm>> -> memref<128x128xf32, #tpu.memory_space<hbm>>
      %dma_wait3A_446 = tpu.memref_slice %arg8[%rem3A_438] : memref<6x!tpu.dma_semaphore, #tpu.memory_space<semaphore_mem>> -> memref<1x!tpu.dma_semaphore, #tpu.memory_space<semaphore_mem>>
      %dma_wait3A_447 = tpu.memref_squeeze %dma_wait3A_446 : memref<1x!tpu.dma_semaphore, #tpu.memory_space<semaphore_mem>> -> memref<!tpu.dma_semaphore, #tpu.memory_space<semaphore_mem>>
      %dma_wait3A_448 = arith.constant 0 : i32
      %dma_wait3A_449 = tpu.memref_slice %arg4[%sub3A_437, %mul3A_2, %dma_wait3A_448] : memref<50x4096x128xf32, #tpu.memory_space<hbm>> -> memref<1x128x128xf32, #tpu.memory_space<hbm>>
      %dma_wait3A_450 = tpu.memref_squeeze %dma_wait3A_449 : memref<1x128x128xf32, #tpu.memory_space<hbm>> -> memref<128x128xf32, #tpu.memory_space<hbm>>
      %dma_wait3A_451 = arith.constant 0 : i32
      %dma_wait3A_452 = arith.constant 0 : i32
      %dma_wait3A_453 = tpu.memref_slice %arg6[%rem3A_438, %dma_wait3A_451, %dma_wait3A_452] : memref<6x128x128xf32, #tpu.memory_space<vmem>> -> memref<1x128x128xf32, #tpu.memory_space<vmem>>
      %dma_wait3A_454 = tpu.memref_squeeze %dma_wait3A_453 : memref<1x128x128xf32, #tpu.memory_space<vmem>> -> memref<128x128xf32, #tpu.memory_space<vmem>>
      tpu.wait_dma2 semaphore(%dma_wait3A_447 : memref<!tpu.dma_semaphore, #tpu.memory_space<semaphore_mem>>) src(%dma_wait3A_454 : memref<128x128xf32, #tpu.memory_space<vmem>>) dst(%dma_wait3A_450 : memref<128x128xf32, #tpu.memory_space<hbm>>)
      %sub3A_455 = arith.constant 3 : i32
      %sub3A_456 = arith.subi %scan3A_435, %sub3A_455 : i32
      %rem3A_457 = arith.constant 6 : i32
      %rem3A_458 = arith.remsi %sub3A_456, %rem3A_457 : i32
      %dma_wait3A_459 = arith.constant 0 : i32
      %dma_wait3A_460 = arith.constant 0 : i32
      %dma_wait3A_461 = tpu.memref_slice %arg6[%rem3A_458, %dma_wait3A_459, %dma_wait3A_460] : memref<6x128x128xf32, #tpu.memory_space<vmem>> -> memref<1x128x128xf32, #tpu.memory_space<vmem>>
      %dma_wait3A_462 = tpu.memref_squeeze %dma_wait3A_461 : memref<1x128x128xf32, #tpu.memory_space<vmem>> -> memref<128x128xf32, #tpu.memory_space<vmem>>
      %dma_wait3A_463 = arith.constant 0 : i32
      %dma_wait3A_464 = tpu.memref_slice %arg5[%sub3A_456, %dma_wait3A_463] : memref<50x128xi32, #tpu.memory_space<vmem>> -> memref<1x128xi32, #tpu.memory_space<vmem>>
      %dma_wait3A_465 = tpu.memref_squeeze %dma_wait3A_464 : memref<1x128xi32, #tpu.memory_space<vmem>> -> memref<128xi32, #tpu.memory_space<vmem>>
      %dma_wait3A_466 = arith.constant 0 : i32
      %dma_wait3A_467 = arith.constant 0 : i32
      %dma_wait3A_468 = tpu.memref_slice %arg3[%dma_wait3A_466, %dma_wait3A_467] : memref<100000x128xf32, #tpu.memory_space<hbm>> -> memref<100000x128xf32, #tpu.memory_space<hbm>>
      %dma_wait3A_469 = tpu.memref_slice %arg7[%rem3A_458] : memref<6x!tpu.dma_semaphore, #tpu.memory_space<semaphore_mem>> -> memref<1x!tpu.dma_semaphore, #tpu.memory_space<semaphore_mem>>
      %dma_wait3A_470 = tpu.memref_squeeze %dma_wait3A_469 : memref<1x!tpu.dma_semaphore, #tpu.memory_space<semaphore_mem>> -> memref<!tpu.dma_semaphore, #tpu.memory_space<semaphore_mem>>
      tpu.wait_indirect_dma semaphore(%dma_wait3A_470 : memref<!tpu.dma_semaphore, #tpu.memory_space<semaphore_mem>>) src(%dma_wait3A_468 : memref<100000x128xf32, #tpu.memory_space<hbm>>) dst(%dma_wait3A_462 : memref<128x128xf32, #tpu.memory_space<vmem>>)
      %sub3A_471 = arith.constant 3 : i32
      %sub3A_472 = arith.subi %scan3A_435, %sub3A_471 : i32
      %rem3A_473 = arith.constant 6 : i32
      %rem3A_474 = arith.remsi %sub3A_472, %rem3A_473 : i32
      %dma_start3A_475 = arith.constant 0 : i32
      %dma_start3A_476 = arith.constant 0 : i32
      %dma_start3A_477 = tpu.memref_slice %arg6[%rem3A_474, %dma_start3A_475, %dma_start3A_476] : memref<6x128x128xf32, #tpu.memory_space<vmem>> -> memref<1x128x128xf32, #tpu.memory_space<vmem>>
      %dma_start3A_478 = tpu.memref_squeeze %dma_start3A_477 : memref<1x128x128xf32, #tpu.memory_space<vmem>> -> memref<128x128xf32, #tpu.memory_space<vmem>>
      %dma_start3A_479 = arith.constant 0 : i32
      %dma_start3A_480 = tpu.memref_slice %arg4[%sub3A_472, %mul3A_2, %dma_start3A_479] : memref<50x4096x128xf32, #tpu.memory_space<hbm>> -> memref<1x128x128xf32, #tpu.memory_space<hbm>>
      %dma_start3A_481 = tpu.memref_squeeze %dma_start3A_480 : memref<1x128x128xf32, #tpu.memory_space<hbm>> -> memref<128x128xf32, #tpu.memory_space<hbm>>
      %dma_start3A_482 = tpu.memref_slice %arg8[%rem3A_474] : memref<6x!tpu.dma_semaphore, #tpu.memory_space<semaphore_mem>> -> memref<1x!tpu.dma_semaphore, #tpu.memory_space<semaphore_mem>>
      %dma_start3A_483 = tpu.memref_squeeze %dma_start3A_482 : memref<1x!tpu.dma_semaphore, #tpu.memory_space<semaphore_mem>> -> memref<!tpu.dma_semaphore, #tpu.memory_space<semaphore_mem>>
      %dma_start3A_484 = arith.constant 0 : i32
      %dma_start3A_485 = tpu.memref_slice %arg4[%sub3A_472, %mul3A_2, %dma_start3A_484] : memref<50x4096x128xf32, #tpu.memory_space<hbm>> -> memref<1x128x128xf32, #tpu.memory_space<hbm>>
      %dma_start3A_486 = tpu.memref_squeeze %dma_start3A_485 : memref<1x128x128xf32, #tpu.memory_space<hbm>> -> memref<128x128xf32, #tpu.memory_space<hbm>>
      %dma_start3A_487 = arith.constant 0 : i32
      %dma_start3A_488 = arith.constant 0 : i32
      %dma_start3A_489 = tpu.memref_slice %arg6[%rem3A_474, %dma_start3A_487, %dma_start3A_488] : memref<6x128x128xf32, #tpu.memory_space<vmem>> -> memref<1x128x128xf32, #tpu.memory_space<vmem>>
      %dma_start3A_490 = tpu.memref_squeeze %dma_start3A_489 : memref<1x128x128xf32, #tpu.memory_space<vmem>> -> memref<128x128xf32, #tpu.memory_space<vmem>>
      tpu.enqueue_dma source(%dma_start3A_490 : memref<128x128xf32, #tpu.memory_space<vmem>>) target(%dma_start3A_486 : memref<128x128xf32, #tpu.memory_space<hbm>>) target_semaphore(%dma_start3A_483 : memref<!tpu.dma_semaphore, #tpu.memory_space<semaphore_mem>>)
      %rem3A_491 = arith.constant 6 : i32
      %rem3A_492 = arith.remsi %scan3A_435, %rem3A_491 : i32
      %dma_start3A_493 = arith.constant 0 : i32
      %dma_start3A_494 = arith.constant 0 : i32
      %dma_start3A_495 = tpu.memref_slice %arg6[%rem3A_492, %dma_start3A_493, %dma_start3A_494] : memref<6x128x128xf32, #tpu.memory_space<vmem>> -> memref<1x128x128xf32, #tpu.memory_space<vmem>>
      %dma_start3A_496 = tpu.memref_squeeze %dma_start3A_495 : memref<1x128x128xf32, #tpu.memory_space<vmem>> -> memref<128x128xf32, #tpu.memory_space<vmem>>
      %dma_start3A_497 = arith.constant 0 : i32
      %dma_start3A_498 = tpu.memref_slice %arg5[%scan3A_435, %dma_start3A_497] : memref<50x128xi32, #tpu.memory_space<vmem>> -> memref<1x128xi32, #tpu.memory_space<vmem>>
      %dma_start3A_499 = tpu.memref_squeeze %dma_start3A_498 : memref<1x128xi32, #tpu.memory_space<vmem>> -> memref<128xi32, #tpu.memory_space<vmem>>
      %dma_start3A_500 = arith.constant 0 : i32
      %dma_start3A_501 = arith.constant 0 : i32
      %dma_start3A_502 = tpu.memref_slice %arg3[%dma_start3A_500, %dma_start3A_501] : memref<100000x128xf32, #tpu.memory_space<hbm>> -> memref<100000x128xf32, #tpu.memory_space<hbm>>
      %dma_start3A_503 = tpu.memref_slice %arg7[%rem3A_492] : memref<6x!tpu.dma_semaphore, #tpu.memory_space<semaphore_mem>> -> memref<1x!tpu.dma_semaphore, #tpu.memory_space<semaphore_mem>>
      %dma_start3A_504 = tpu.memref_squeeze %dma_start3A_503 : memref<1x!tpu.dma_semaphore, #tpu.memory_space<semaphore_mem>> -> memref<!tpu.dma_semaphore, #tpu.memory_space<semaphore_mem>>
      tpu.enqueue_indirect_dma source(%dma_start3A_502 : memref<100000x128xf32, #tpu.memory_space<hbm>>) target(%dma_start3A_496 : memref<128x128xf32, #tpu.memory_space<vmem>>) offsets(%dma_start3A_499 : memref<128xi32, #tpu.memory_space<vmem>>) semaphore(%dma_start3A_504 : memref<!tpu.dma_semaphore, #tpu.memory_space<semaphore_mem>>)
      %scan3A_505 = arith.constant 0 : i32
      scf.yield %scan3A_505 : i32
    }
    %scan3A_218 = arith.constant 44 : i32
    %dma_wait3A_219 = arith.constant 2 : i32
    %dma_wait3A_220 = arith.constant 44 : i32
    %dma_wait3A_221 = arith.constant 2 : i32
    %dma_wait3A_222 = arith.constant 0 : i32
    %dma_wait3A_223 = arith.constant 0 : i32
    %dma_wait3A_224 = tpu.memref_slice %arg6[%dma_wait3A_219, %dma_wait3A_222, %dma_wait3A_223] : memref<6x128x128xf32, #tpu.memory_space<vmem>> -> memref<1x128x128xf32, #tpu.memory_space<vmem>>
    %dma_wait3A_225 = tpu.memref_squeeze %dma_wait3A_224 : memref<1x128x128xf32, #tpu.memory_space<vmem>> -> memref<128x128xf32, #tpu.memory_space<vmem>>
    %dma_wait3A_226 = arith.constant 0 : i32
    %dma_wait3A_227 = tpu.memref_slice %arg4[%dma_wait3A_220, %mul3A_2, %dma_wait3A_226] : memref<50x4096x128xf32, #tpu.memory_space<hbm>> -> memref<1x128x128xf32, #tpu.memory_space<hbm>>
    %dma_wait3A_228 = tpu.memref_squeeze %dma_wait3A_227 : memref<1x128x128xf32, #tpu.memory_space<hbm>> -> memref<128x128xf32, #tpu.memory_space<hbm>>
    %dma_wait3A_229 = tpu.memref_slice %arg8[%dma_wait3A_221] : memref<6x!tpu.dma_semaphore, #tpu.memory_space<semaphore_mem>> -> memref<1x!tpu.dma_semaphore, #tpu.memory_space<semaphore_mem>>
    %dma_wait3A_230 = tpu.memref_squeeze %dma_wait3A_229 : memref<1x!tpu.dma_semaphore, #tpu.memory_space<semaphore_mem>> -> memref<!tpu.dma_semaphore, #tpu.memory_space<semaphore_mem>>
    %dma_wait3A_231 = arith.constant 0 : i32
    %dma_wait3A_232 = tpu.memref_slice %arg4[%dma_wait3A_220, %mul3A_2, %dma_wait3A_231] : memref<50x4096x128xf32, #tpu.memory_space<hbm>> -> memref<1x128x128xf32, #tpu.memory_space<hbm>>
    %dma_wait3A_233 = tpu.memref_squeeze %dma_wait3A_232 : memref<1x128x128xf32, #tpu.memory_space<hbm>> -> memref<128x128xf32, #tpu.memory_space<hbm>>
    %dma_wait3A_234 = arith.constant 0 : i32
    %dma_wait3A_235 = arith.constant 0 : i32
    %dma_wait3A_236 = tpu.memref_slice %arg6[%dma_wait3A_219, %dma_wait3A_234, %dma_wait3A_235] : memref<6x128x128xf32, #tpu.memory_space<vmem>> -> memref<1x128x128xf32, #tpu.memory_space<vmem>>
    %dma_wait3A_237 = tpu.memref_squeeze %dma_wait3A_236 : memref<1x128x128xf32, #tpu.memory_space<vmem>> -> memref<128x128xf32, #tpu.memory_space<vmem>>
    tpu.wait_dma2 semaphore(%dma_wait3A_230 : memref<!tpu.dma_semaphore, #tpu.memory_space<semaphore_mem>>) src(%dma_wait3A_237 : memref<128x128xf32, #tpu.memory_space<vmem>>) dst(%dma_wait3A_233 : memref<128x128xf32, #tpu.memory_space<hbm>>)
    %dma_wait3A_238 = arith.constant 47 : i32
    %dma_wait3A_239 = arith.constant 5 : i32
    %dma_wait3A_240 = arith.constant 5 : i32
    %dma_wait3A_241 = arith.constant 0 : i32
    %dma_wait3A_242 = arith.constant 0 : i32
    %dma_wait3A_243 = tpu.memref_slice %arg6[%dma_wait3A_239, %dma_wait3A_241, %dma_wait3A_242] : memref<6x128x128xf32, #tpu.memory_space<vmem>> -> memref<1x128x128xf32, #tpu.memory_space<vmem>>
    %dma_wait3A_244 = tpu.memref_squeeze %dma_wait3A_243 : memref<1x128x128xf32, #tpu.memory_space<vmem>> -> memref<128x128xf32, #tpu.memory_space<vmem>>
    %dma_wait3A_245 = arith.constant 0 : i32
    %dma_wait3A_246 = tpu.memref_slice %arg5[%dma_wait3A_238, %dma_wait3A_245] : memref<50x128xi32, #tpu.memory_space<vmem>> -> memref<1x128xi32, #tpu.memory_space<vmem>>
    %dma_wait3A_247 = tpu.memref_squeeze %dma_wait3A_246 : memref<1x128xi32, #tpu.memory_space<vmem>> -> memref<128xi32, #tpu.memory_space<vmem>>
    %dma_wait3A_248 = arith.constant 0 : i32
    %dma_wait3A_249 = arith.constant 0 : i32
    %dma_wait3A_250 = tpu.memref_slice %arg3[%dma_wait3A_248, %dma_wait3A_249] : memref<100000x128xf32, #tpu.memory_space<hbm>> -> memref<100000x128xf32, #tpu.memory_space<hbm>>
    %dma_wait3A_251 = tpu.memref_slice %arg7[%dma_wait3A_240] : memref<6x!tpu.dma_semaphore, #tpu.memory_space<semaphore_mem>> -> memref<1x!tpu.dma_semaphore, #tpu.memory_space<semaphore_mem>>
    %dma_wait3A_252 = tpu.memref_squeeze %dma_wait3A_251 : memref<1x!tpu.dma_semaphore, #tpu.memory_space<semaphore_mem>> -> memref<!tpu.dma_semaphore, #tpu.memory_space<semaphore_mem>>
    tpu.wait_indirect_dma semaphore(%dma_wait3A_252 : memref<!tpu.dma_semaphore, #tpu.memory_space<semaphore_mem>>) src(%dma_wait3A_250 : memref<100000x128xf32, #tpu.memory_space<hbm>>) dst(%dma_wait3A_244 : memref<128x128xf32, #tpu.memory_space<vmem>>)
    %dma_start3A_253 = arith.constant 5 : i32
    %dma_start3A_254 = arith.constant 47 : i32
    %dma_start3A_255 = arith.constant 5 : i32
    %dma_start3A_256 = arith.constant 0 : i32
    %dma_start3A_257 = arith.constant 0 : i32
    %dma_start3A_258 = tpu.memref_slice %arg6[%dma_start3A_253, %dma_start3A_256, %dma_start3A_257] : memref<6x128x128xf32, #tpu.memory_space<vmem>> -> memref<1x128x128xf32, #tpu.memory_space<vmem>>
    %dma_start3A_259 = tpu.memref_squeeze %dma_start3A_258 : memref<1x128x128xf32, #tpu.memory_space<vmem>> -> memref<128x128xf32, #tpu.memory_space<vmem>>
    %dma_start3A_260 = arith.constant 0 : i32
    %dma_start3A_261 = tpu.memref_slice %arg4[%dma_start3A_254, %mul3A_2, %dma_start3A_260] : memref<50x4096x128xf32, #tpu.memory_space<hbm>> -> memref<1x128x128xf32, #tpu.memory_space<hbm>>
    %dma_start3A_262 = tpu.memref_squeeze %dma_start3A_261 : memref<1x128x128xf32, #tpu.memory_space<hbm>> -> memref<128x128xf32, #tpu.memory_space<hbm>>
    %dma_start3A_263 = tpu.memref_slice %arg8[%dma_start3A_255] : memref<6x!tpu.dma_semaphore, #tpu.memory_space<semaphore_mem>> -> memref<1x!tpu.dma_semaphore, #tpu.memory_space<semaphore_mem>>
    %dma_start3A_264 = tpu.memref_squeeze %dma_start3A_263 : memref<1x!tpu.dma_semaphore, #tpu.memory_space<semaphore_mem>> -> memref<!tpu.dma_semaphore, #tpu.memory_space<semaphore_mem>>
    %dma_start3A_265 = arith.constant 0 : i32
    %dma_start3A_266 = tpu.memref_slice %arg4[%dma_start3A_254, %mul3A_2, %dma_start3A_265] : memref<50x4096x128xf32, #tpu.memory_space<hbm>> -> memref<1x128x128xf32, #tpu.memory_space<hbm>>
    %dma_start3A_267 = tpu.memref_squeeze %dma_start3A_266 : memref<1x128x128xf32, #tpu.memory_space<hbm>> -> memref<128x128xf32, #tpu.memory_space<hbm>>
    %dma_start3A_268 = arith.constant 0 : i32
    %dma_start3A_269 = arith.constant 0 : i32
    %dma_start3A_270 = tpu.memref_slice %arg6[%dma_start3A_253, %dma_start3A_268, %dma_start3A_269] : memref<6x128x128xf32, #tpu.memory_space<vmem>> -> memref<1x128x128xf32, #tpu.memory_space<vmem>>
    %dma_start3A_271 = tpu.memref_squeeze %dma_start3A_270 : memref<1x128x128xf32, #tpu.memory_space<vmem>> -> memref<128x128xf32, #tpu.memory_space<vmem>>
    tpu.enqueue_dma source(%dma_start3A_271 : memref<128x128xf32, #tpu.memory_space<vmem>>) target(%dma_start3A_267 : memref<128x128xf32, #tpu.memory_space<hbm>>) target_semaphore(%dma_start3A_264 : memref<!tpu.dma_semaphore, #tpu.memory_space<semaphore_mem>>)
    %dma_wait3A_272 = arith.constant 3 : i32
    %dma_wait3A_273 = arith.constant 45 : i32
    %dma_wait3A_274 = arith.constant 3 : i32
    %dma_wait3A_275 = arith.constant 0 : i32
    %dma_wait3A_276 = arith.constant 0 : i32
    %dma_wait3A_277 = tpu.memref_slice %arg6[%dma_wait3A_272, %dma_wait3A_275, %dma_wait3A_276] : memref<6x128x128xf32, #tpu.memory_space<vmem>> -> memref<1x128x128xf32, #tpu.memory_space<vmem>>
    %dma_wait3A_278 = tpu.memref_squeeze %dma_wait3A_277 : memref<1x128x128xf32, #tpu.memory_space<vmem>> -> memref<128x128xf32, #tpu.memory_space<vmem>>
    %dma_wait3A_279 = arith.constant 0 : i32
    %dma_wait3A_280 = tpu.memref_slice %arg4[%dma_wait3A_273, %mul3A_2, %dma_wait3A_279] : memref<50x4096x128xf32, #tpu.memory_space<hbm>> -> memref<1x128x128xf32, #tpu.memory_space<hbm>>
    %dma_wait3A_281 = tpu.memref_squeeze %dma_wait3A_280 : memref<1x128x128xf32, #tpu.memory_space<hbm>> -> memref<128x128xf32, #tpu.memory_space<hbm>>
    %dma_wait3A_282 = tpu.memref_slice %arg8[%dma_wait3A_274] : memref<6x!tpu.dma_semaphore, #tpu.memory_space<semaphore_mem>> -> memref<1x!tpu.dma_semaphore, #tpu.memory_space<semaphore_mem>>
    %dma_wait3A_283 = tpu.memref_squeeze %dma_wait3A_282 : memref<1x!tpu.dma_semaphore, #tpu.memory_space<semaphore_mem>> -> memref<!tpu.dma_semaphore, #tpu.memory_space<semaphore_mem>>
    %dma_wait3A_284 = arith.constant 0 : i32
    %dma_wait3A_285 = tpu.memref_slice %arg4[%dma_wait3A_273, %mul3A_2, %dma_wait3A_284] : memref<50x4096x128xf32, #tpu.memory_space<hbm>> -> memref<1x128x128xf32, #tpu.memory_space<hbm>>
    %dma_wait3A_286 = tpu.memref_squeeze %dma_wait3A_285 : memref<1x128x128xf32, #tpu.memory_space<hbm>> -> memref<128x128xf32, #tpu.memory_space<hbm>>
    %dma_wait3A_287 = arith.constant 0 : i32
    %dma_wait3A_288 = arith.constant 0 : i32
    %dma_wait3A_289 = tpu.memref_slice %arg6[%dma_wait3A_272, %dma_wait3A_287, %dma_wait3A_288] : memref<6x128x128xf32, #tpu.memory_space<vmem>> -> memref<1x128x128xf32, #tpu.memory_space<vmem>>
    %dma_wait3A_290 = tpu.memref_squeeze %dma_wait3A_289 : memref<1x128x128xf32, #tpu.memory_space<vmem>> -> memref<128x128xf32, #tpu.memory_space<vmem>>
    tpu.wait_dma2 semaphore(%dma_wait3A_283 : memref<!tpu.dma_semaphore, #tpu.memory_space<semaphore_mem>>) src(%dma_wait3A_290 : memref<128x128xf32, #tpu.memory_space<vmem>>) dst(%dma_wait3A_286 : memref<128x128xf32, #tpu.memory_space<hbm>>)
    %dma_wait3A_291 = arith.constant 48 : i32
    %dma_wait3A_292 = arith.constant 0 : i32
    %dma_wait3A_293 = arith.constant 0 : i32
    %dma_wait3A_294 = arith.constant 0 : i32
    %dma_wait3A_295 = arith.constant 0 : i32
    %dma_wait3A_296 = tpu.memref_slice %arg6[%dma_wait3A_292, %dma_wait3A_294, %dma_wait3A_295] : memref<6x128x128xf32, #tpu.memory_space<vmem>> -> memref<1x128x128xf32, #tpu.memory_space<vmem>>
    %dma_wait3A_297 = tpu.memref_squeeze %dma_wait3A_296 : memref<1x128x128xf32, #tpu.memory_space<vmem>> -> memref<128x128xf32, #tpu.memory_space<vmem>>
    %dma_wait3A_298 = arith.constant 0 : i32
    %dma_wait3A_299 = tpu.memref_slice %arg5[%dma_wait3A_291, %dma_wait3A_298] : memref<50x128xi32, #tpu.memory_space<vmem>> -> memref<1x128xi32, #tpu.memory_space<vmem>>
    %dma_wait3A_300 = tpu.memref_squeeze %dma_wait3A_299 : memref<1x128xi32, #tpu.memory_space<vmem>> -> memref<128xi32, #tpu.memory_space<vmem>>
    %dma_wait3A_301 = arith.constant 0 : i32
    %dma_wait3A_302 = arith.constant 0 : i32
    %dma_wait3A_303 = tpu.memref_slice %arg3[%dma_wait3A_301, %dma_wait3A_302] : memref<100000x128xf32, #tpu.memory_space<hbm>> -> memref<100000x128xf32, #tpu.memory_space<hbm>>
    %dma_wait3A_304 = tpu.memref_slice %arg7[%dma_wait3A_293] : memref<6x!tpu.dma_semaphore, #tpu.memory_space<semaphore_mem>> -> memref<1x!tpu.dma_semaphore, #tpu.memory_space<semaphore_mem>>
    %dma_wait3A_305 = tpu.memref_squeeze %dma_wait3A_304 : memref<1x!tpu.dma_semaphore, #tpu.memory_space<semaphore_mem>> -> memref<!tpu.dma_semaphore, #tpu.memory_space<semaphore_mem>>
    tpu.wait_indirect_dma semaphore(%dma_wait3A_305 : memref<!tpu.dma_semaphore, #tpu.memory_space<semaphore_mem>>) src(%dma_wait3A_303 : memref<100000x128xf32, #tpu.memory_space<hbm>>) dst(%dma_wait3A_297 : memref<128x128xf32, #tpu.memory_space<vmem>>)
    %dma_start3A_306 = arith.constant 0 : i32
    %dma_start3A_307 = arith.constant 48 : i32
    %dma_start3A_308 = arith.constant 0 : i32
    %dma_start3A_309 = arith.constant 0 : i32
    %dma_start3A_310 = arith.constant 0 : i32
    %dma_start3A_311 = tpu.memref_slice %arg6[%dma_start3A_306, %dma_start3A_309, %dma_start3A_310] : memref<6x128x128xf32, #tpu.memory_space<vmem>> -> memref<1x128x128xf32, #tpu.memory_space<vmem>>
    %dma_start3A_312 = tpu.memref_squeeze %dma_start3A_311 : memref<1x128x128xf32, #tpu.memory_space<vmem>> -> memref<128x128xf32, #tpu.memory_space<vmem>>
    %dma_start3A_313 = arith.constant 0 : i32
    %dma_start3A_314 = tpu.memref_slice %arg4[%dma_start3A_307, %mul3A_2, %dma_start3A_313] : memref<50x4096x128xf32, #tpu.memory_space<hbm>> -> memref<1x128x128xf32, #tpu.memory_space<hbm>>
    %dma_start3A_315 = tpu.memref_squeeze %dma_start3A_314 : memref<1x128x128xf32, #tpu.memory_space<hbm>> -> memref<128x128xf32, #tpu.memory_space<hbm>>
    %dma_start3A_316 = tpu.memref_slice %arg8[%dma_start3A_308] : memref<6x!tpu.dma_semaphore, #tpu.memory_space<semaphore_mem>> -> memref<1x!tpu.dma_semaphore, #tpu.memory_space<semaphore_mem>>
    %dma_start3A_317 = tpu.memref_squeeze %dma_start3A_316 : memref<1x!tpu.dma_semaphore, #tpu.memory_space<semaphore_mem>> -> memref<!tpu.dma_semaphore, #tpu.memory_space<semaphore_mem>>
    %dma_start3A_318 = arith.constant 0 : i32
    %dma_start3A_319 = tpu.memref_slice %arg4[%dma_start3A_307, %mul3A_2, %dma_start3A_318] : memref<50x4096x128xf32, #tpu.memory_space<hbm>> -> memref<1x128x128xf32, #tpu.memory_space<hbm>>
    %dma_start3A_320 = tpu.memref_squeeze %dma_start3A_319 : memref<1x128x128xf32, #tpu.memory_space<hbm>> -> memref<128x128xf32, #tpu.memory_space<hbm>>
    %dma_start3A_321 = arith.constant 0 : i32
    %dma_start3A_322 = arith.constant 0 : i32
    %dma_start3A_323 = tpu.memref_slice %arg6[%dma_start3A_306, %dma_start3A_321, %dma_start3A_322] : memref<6x128x128xf32, #tpu.memory_space<vmem>> -> memref<1x128x128xf32, #tpu.memory_space<vmem>>
    %dma_start3A_324 = tpu.memref_squeeze %dma_start3A_323 : memref<1x128x128xf32, #tpu.memory_space<vmem>> -> memref<128x128xf32, #tpu.memory_space<vmem>>
    tpu.enqueue_dma source(%dma_start3A_324 : memref<128x128xf32, #tpu.memory_space<vmem>>) target(%dma_start3A_320 : memref<128x128xf32, #tpu.memory_space<hbm>>) target_semaphore(%dma_start3A_317 : memref<!tpu.dma_semaphore, #tpu.memory_space<semaphore_mem>>)
    %dma_wait3A_325 = arith.constant 4 : i32
    %dma_wait3A_326 = arith.constant 46 : i32
    %dma_wait3A_327 = arith.constant 4 : i32
    %dma_wait3A_328 = arith.constant 0 : i32
    %dma_wait3A_329 = arith.constant 0 : i32
    %dma_wait3A_330 = tpu.memref_slice %arg6[%dma_wait3A_325, %dma_wait3A_328, %dma_wait3A_329] : memref<6x128x128xf32, #tpu.memory_space<vmem>> -> memref<1x128x128xf32, #tpu.memory_space<vmem>>
    %dma_wait3A_331 = tpu.memref_squeeze %dma_wait3A_330 : memref<1x128x128xf32, #tpu.memory_space<vmem>> -> memref<128x128xf32, #tpu.memory_space<vmem>>
    %dma_wait3A_332 = arith.constant 0 : i32
    %dma_wait3A_333 = tpu.memref_slice %arg4[%dma_wait3A_326, %mul3A_2, %dma_wait3A_332] : memref<50x4096x128xf32, #tpu.memory_space<hbm>> -> memref<1x128x128xf32, #tpu.memory_space<hbm>>
    %dma_wait3A_334 = tpu.memref_squeeze %dma_wait3A_333 : memref<1x128x128xf32, #tpu.memory_space<hbm>> -> memref<128x128xf32, #tpu.memory_space<hbm>>
    %dma_wait3A_335 = tpu.memref_slice %arg8[%dma_wait3A_327] : memref<6x!tpu.dma_semaphore, #tpu.memory_space<semaphore_mem>> -> memref<1x!tpu.dma_semaphore, #tpu.memory_space<semaphore_mem>>
    %dma_wait3A_336 = tpu.memref_squeeze %dma_wait3A_335 : memref<1x!tpu.dma_semaphore, #tpu.memory_space<semaphore_mem>> -> memref<!tpu.dma_semaphore, #tpu.memory_space<semaphore_mem>>
    %dma_wait3A_337 = arith.constant 0 : i32
    %dma_wait3A_338 = tpu.memref_slice %arg4[%dma_wait3A_326, %mul3A_2, %dma_wait3A_337] : memref<50x4096x128xf32, #tpu.memory_space<hbm>> -> memref<1x128x128xf32, #tpu.memory_space<hbm>>
    %dma_wait3A_339 = tpu.memref_squeeze %dma_wait3A_338 : memref<1x128x128xf32, #tpu.memory_space<hbm>> -> memref<128x128xf32, #tpu.memory_space<hbm>>
    %dma_wait3A_340 = arith.constant 0 : i32
    %dma_wait3A_341 = arith.constant 0 : i32
    %dma_wait3A_342 = tpu.memref_slice %arg6[%dma_wait3A_325, %dma_wait3A_340, %dma_wait3A_341] : memref<6x128x128xf32, #tpu.memory_space<vmem>> -> memref<1x128x128xf32, #tpu.memory_space<vmem>>
    %dma_wait3A_343 = tpu.memref_squeeze %dma_wait3A_342 : memref<1x128x128xf32, #tpu.memory_space<vmem>> -> memref<128x128xf32, #tpu.memory_space<vmem>>
    tpu.wait_dma2 semaphore(%dma_wait3A_336 : memref<!tpu.dma_semaphore, #tpu.memory_space<semaphore_mem>>) src(%dma_wait3A_343 : memref<128x128xf32, #tpu.memory_space<vmem>>) dst(%dma_wait3A_339 : memref<128x128xf32, #tpu.memory_space<hbm>>)
    %dma_wait3A_344 = arith.constant 49 : i32
    %dma_wait3A_345 = arith.constant 1 : i32
    %dma_wait3A_346 = arith.constant 1 : i32
    %dma_wait3A_347 = arith.constant 0 : i32
    %dma_wait3A_348 = arith.constant 0 : i32
    %dma_wait3A_349 = tpu.memref_slice %arg6[%dma_wait3A_345, %dma_wait3A_347, %dma_wait3A_348] : memref<6x128x128xf32, #tpu.memory_space<vmem>> -> memref<1x128x128xf32, #tpu.memory_space<vmem>>
    %dma_wait3A_350 = tpu.memref_squeeze %dma_wait3A_349 : memref<1x128x128xf32, #tpu.memory_space<vmem>> -> memref<128x128xf32, #tpu.memory_space<vmem>>
    %dma_wait3A_351 = arith.constant 0 : i32
    %dma_wait3A_352 = tpu.memref_slice %arg5[%dma_wait3A_344, %dma_wait3A_351] : memref<50x128xi32, #tpu.memory_space<vmem>> -> memref<1x128xi32, #tpu.memory_space<vmem>>
    %dma_wait3A_353 = tpu.memref_squeeze %dma_wait3A_352 : memref<1x128xi32, #tpu.memory_space<vmem>> -> memref<128xi32, #tpu.memory_space<vmem>>
    %dma_wait3A_354 = arith.constant 0 : i32
    %dma_wait3A_355 = arith.constant 0 : i32
    %dma_wait3A_356 = tpu.memref_slice %arg3[%dma_wait3A_354, %dma_wait3A_355] : memref<100000x128xf32, #tpu.memory_space<hbm>> -> memref<100000x128xf32, #tpu.memory_space<hbm>>
    %dma_wait3A_357 = tpu.memref_slice %arg7[%dma_wait3A_346] : memref<6x!tpu.dma_semaphore, #tpu.memory_space<semaphore_mem>> -> memref<1x!tpu.dma_semaphore, #tpu.memory_space<semaphore_mem>>
    %dma_wait3A_358 = tpu.memref_squeeze %dma_wait3A_357 : memref<1x!tpu.dma_semaphore, #tpu.memory_space<semaphore_mem>> -> memref<!tpu.dma_semaphore, #tpu.memory_space<semaphore_mem>>
    tpu.wait_indirect_dma semaphore(%dma_wait3A_358 : memref<!tpu.dma_semaphore, #tpu.memory_space<semaphore_mem>>) src(%dma_wait3A_356 : memref<100000x128xf32, #tpu.memory_space<hbm>>) dst(%dma_wait3A_350 : memref<128x128xf32, #tpu.memory_space<vmem>>)
    %dma_start3A_359 = arith.constant 1 : i32
    %dma_start3A_360 = arith.constant 49 : i32
    %dma_start3A_361 = arith.constant 1 : i32
    %dma_start3A_362 = arith.constant 0 : i32
    %dma_start3A_363 = arith.constant 0 : i32
    %dma_start3A_364 = tpu.memref_slice %arg6[%dma_start3A_359, %dma_start3A_362, %dma_start3A_363] : memref<6x128x128xf32, #tpu.memory_space<vmem>> -> memref<1x128x128xf32, #tpu.memory_space<vmem>>
    %dma_start3A_365 = tpu.memref_squeeze %dma_start3A_364 : memref<1x128x128xf32, #tpu.memory_space<vmem>> -> memref<128x128xf32, #tpu.memory_space<vmem>>
    %dma_start3A_366 = arith.constant 0 : i32
    %dma_start3A_367 = tpu.memref_slice %arg4[%dma_start3A_360, %mul3A_2, %dma_start3A_366] : memref<50x4096x128xf32, #tpu.memory_space<hbm>> -> memref<1x128x128xf32, #tpu.memory_space<hbm>>
    %dma_start3A_368 = tpu.memref_squeeze %dma_start3A_367 : memref<1x128x128xf32, #tpu.memory_space<hbm>> -> memref<128x128xf32, #tpu.memory_space<hbm>>
    %dma_start3A_369 = tpu.memref_slice %arg8[%dma_start3A_361] : memref<6x!tpu.dma_semaphore, #tpu.memory_space<semaphore_mem>> -> memref<1x!tpu.dma_semaphore, #tpu.memory_space<semaphore_mem>>
    %dma_start3A_370 = tpu.memref_squeeze %dma_start3A_369 : memref<1x!tpu.dma_semaphore, #tpu.memory_space<semaphore_mem>> -> memref<!tpu.dma_semaphore, #tpu.memory_space<semaphore_mem>>
    %dma_start3A_371 = arith.constant 0 : i32
    %dma_start3A_372 = tpu.memref_slice %arg4[%dma_start3A_360, %mul3A_2, %dma_start3A_371] : memref<50x4096x128xf32, #tpu.memory_space<hbm>> -> memref<1x128x128xf32, #tpu.memory_space<hbm>>
    %dma_start3A_373 = tpu.memref_squeeze %dma_start3A_372 : memref<1x128x128xf32, #tpu.memory_space<hbm>> -> memref<128x128xf32, #tpu.memory_space<hbm>>
    %dma_start3A_374 = arith.constant 0 : i32
    %dma_start3A_375 = arith.constant 0 : i32
    %dma_start3A_376 = tpu.memref_slice %arg6[%dma_start3A_359, %dma_start3A_374, %dma_start3A_375] : memref<6x128x128xf32, #tpu.memory_space<vmem>> -> memref<1x128x128xf32, #tpu.memory_space<vmem>>
    %dma_start3A_377 = tpu.memref_squeeze %dma_start3A_376 : memref<1x128x128xf32, #tpu.memory_space<vmem>> -> memref<128x128xf32, #tpu.memory_space<vmem>>
    tpu.enqueue_dma source(%dma_start3A_377 : memref<128x128xf32, #tpu.memory_space<vmem>>) target(%dma_start3A_373 : memref<128x128xf32, #tpu.memory_space<hbm>>) target_semaphore(%dma_start3A_370 : memref<!tpu.dma_semaphore, #tpu.memory_space<semaphore_mem>>)
    %dma_wait3A_378 = arith.constant 5 : i32
    %dma_wait3A_379 = arith.constant 47 : i32
    %dma_wait3A_380 = arith.constant 5 : i32
    %dma_wait3A_381 = arith.constant 0 : i32
    %dma_wait3A_382 = arith.constant 0 : i32
    %dma_wait3A_383 = tpu.memref_slice %arg6[%dma_wait3A_378, %dma_wait3A_381, %dma_wait3A_382] : memref<6x128x128xf32, #tpu.memory_space<vmem>> -> memref<1x128x128xf32, #tpu.memory_space<vmem>>
    %dma_wait3A_384 = tpu.memref_squeeze %dma_wait3A_383 : memref<1x128x128xf32, #tpu.memory_space<vmem>> -> memref<128x128xf32, #tpu.memory_space<vmem>>
    %dma_wait3A_385 = arith.constant 0 : i32
    %dma_wait3A_386 = tpu.memref_slice %arg4[%dma_wait3A_379, %mul3A_2, %dma_wait3A_385] : memref<50x4096x128xf32, #tpu.memory_space<hbm>> -> memref<1x128x128xf32, #tpu.memory_space<hbm>>
    %dma_wait3A_387 = tpu.memref_squeeze %dma_wait3A_386 : memref<1x128x128xf32, #tpu.memory_space<hbm>> -> memref<128x128xf32, #tpu.memory_space<hbm>>
    %dma_wait3A_388 = tpu.memref_slice %arg8[%dma_wait3A_380] : memref<6x!tpu.dma_semaphore, #tpu.memory_space<semaphore_mem>> -> memref<1x!tpu.dma_semaphore, #tpu.memory_space<semaphore_mem>>
    %dma_wait3A_389 = tpu.memref_squeeze %dma_wait3A_388 : memref<1x!tpu.dma_semaphore, #tpu.memory_space<semaphore_mem>> -> memref<!tpu.dma_semaphore, #tpu.memory_space<semaphore_mem>>
    %dma_wait3A_390 = arith.constant 0 : i32
    %dma_wait3A_391 = tpu.memref_slice %arg4[%dma_wait3A_379, %mul3A_2, %dma_wait3A_390] : memref<50x4096x128xf32, #tpu.memory_space<hbm>> -> memref<1x128x128xf32, #tpu.memory_space<hbm>>
    %dma_wait3A_392 = tpu.memref_squeeze %dma_wait3A_391 : memref<1x128x128xf32, #tpu.memory_space<hbm>> -> memref<128x128xf32, #tpu.memory_space<hbm>>
    %dma_wait3A_393 = arith.constant 0 : i32
    %dma_wait3A_394 = arith.constant 0 : i32
    %dma_wait3A_395 = tpu.memref_slice %arg6[%dma_wait3A_378, %dma_wait3A_393, %dma_wait3A_394] : memref<6x128x128xf32, #tpu.memory_space<vmem>> -> memref<1x128x128xf32, #tpu.memory_space<vmem>>
    %dma_wait3A_396 = tpu.memref_squeeze %dma_wait3A_395 : memref<1x128x128xf32, #tpu.memory_space<vmem>> -> memref<128x128xf32, #tpu.memory_space<vmem>>
    tpu.wait_dma2 semaphore(%dma_wait3A_389 : memref<!tpu.dma_semaphore, #tpu.memory_space<semaphore_mem>>) src(%dma_wait3A_396 : memref<128x128xf32, #tpu.memory_space<vmem>>) dst(%dma_wait3A_392 : memref<128x128xf32, #tpu.memory_space<hbm>>)
    %dma_wait3A_397 = arith.constant 0 : i32
    %dma_wait3A_398 = arith.constant 48 : i32
    %dma_wait3A_399 = arith.constant 0 : i32
    %dma_wait3A_400 = arith.constant 0 : i32
    %dma_wait3A_401 = arith.constant 0 : i32
    %dma_wait3A_402 = tpu.memref_slice %arg6[%dma_wait3A_397, %dma_wait3A_400, %dma_wait3A_401] : memref<6x128x128xf32, #tpu.memory_space<vmem>> -> memref<1x128x128xf32, #tpu.memory_space<vmem>>
    %dma_wait3A_403 = tpu.memref_squeeze %dma_wait3A_402 : memref<1x128x128xf32, #tpu.memory_space<vmem>> -> memref<128x128xf32, #tpu.memory_space<vmem>>
    %dma_wait3A_404 = arith.constant 0 : i32
    %dma_wait3A_405 = tpu.memref_slice %arg4[%dma_wait3A_398, %mul3A_2, %dma_wait3A_404] : memref<50x4096x128xf32, #tpu.memory_space<hbm>> -> memref<1x128x128xf32, #tpu.memory_space<hbm>>
    %dma_wait3A_406 = tpu.memref_squeeze %dma_wait3A_405 : memref<1x128x128xf32, #tpu.memory_space<hbm>> -> memref<128x128xf32, #tpu.memory_space<hbm>>
    %dma_wait3A_407 = tpu.memref_slice %arg8[%dma_wait3A_399] : memref<6x!tpu.dma_semaphore, #tpu.memory_space<semaphore_mem>> -> memref<1x!tpu.dma_semaphore, #tpu.memory_space<semaphore_mem>>
    %dma_wait3A_408 = tpu.memref_squeeze %dma_wait3A_407 : memref<1x!tpu.dma_semaphore, #tpu.memory_space<semaphore_mem>> -> memref<!tpu.dma_semaphore, #tpu.memory_space<semaphore_mem>>
    %dma_wait3A_409 = arith.constant 0 : i32
    %dma_wait3A_410 = tpu.memref_slice %arg4[%dma_wait3A_398, %mul3A_2, %dma_wait3A_409] : memref<50x4096x128xf32, #tpu.memory_space<hbm>> -> memref<1x128x128xf32, #tpu.memory_space<hbm>>
    %dma_wait3A_411 = tpu.memref_squeeze %dma_wait3A_410 : memref<1x128x128xf32, #tpu.memory_space<hbm>> -> memref<128x128xf32, #tpu.memory_space<hbm>>
    %dma_wait3A_412 = arith.constant 0 : i32
    %dma_wait3A_413 = arith.constant 0 : i32
    %dma_wait3A_414 = tpu.memref_slice %arg6[%dma_wait3A_397, %dma_wait3A_412, %dma_wait3A_413] : memref<6x128x128xf32, #tpu.memory_space<vmem>> -> memref<1x128x128xf32, #tpu.memory_space<vmem>>
    %dma_wait3A_415 = tpu.memref_squeeze %dma_wait3A_414 : memref<1x128x128xf32, #tpu.memory_space<vmem>> -> memref<128x128xf32, #tpu.memory_space<vmem>>
    tpu.wait_dma2 semaphore(%dma_wait3A_408 : memref<!tpu.dma_semaphore, #tpu.memory_space<semaphore_mem>>) src(%dma_wait3A_415 : memref<128x128xf32, #tpu.memory_space<vmem>>) dst(%dma_wait3A_411 : memref<128x128xf32, #tpu.memory_space<hbm>>)
    %dma_wait3A_416 = arith.constant 1 : i32
    %dma_wait3A_417 = arith.constant 49 : i32
    %dma_wait3A_418 = arith.constant 1 : i32
    %dma_wait3A_419 = arith.constant 0 : i32
    %dma_wait3A_420 = arith.constant 0 : i32
    %dma_wait3A_421 = tpu.memref_slice %arg6[%dma_wait3A_416, %dma_wait3A_419, %dma_wait3A_420] : memref<6x128x128xf32, #tpu.memory_space<vmem>> -> memref<1x128x128xf32, #tpu.memory_space<vmem>>
    %dma_wait3A_422 = tpu.memref_squeeze %dma_wait3A_421 : memref<1x128x128xf32, #tpu.memory_space<vmem>> -> memref<128x128xf32, #tpu.memory_space<vmem>>
    %dma_wait3A_423 = arith.constant 0 : i32
    %dma_wait3A_424 = tpu.memref_slice %arg4[%dma_wait3A_417, %mul3A_2, %dma_wait3A_423] : memref<50x4096x128xf32, #tpu.memory_space<hbm>> -> memref<1x128x128xf32, #tpu.memory_space<hbm>>
    %dma_wait3A_425 = tpu.memref_squeeze %dma_wait3A_424 : memref<1x128x128xf32, #tpu.memory_space<hbm>> -> memref<128x128xf32, #tpu.memory_space<hbm>>
    %dma_wait3A_426 = tpu.memref_slice %arg8[%dma_wait3A_418] : memref<6x!tpu.dma_semaphore, #tpu.memory_space<semaphore_mem>> -> memref<1x!tpu.dma_semaphore, #tpu.memory_space<semaphore_mem>>
    %dma_wait3A_427 = tpu.memref_squeeze %dma_wait3A_426 : memref<1x!tpu.dma_semaphore, #tpu.memory_space<semaphore_mem>> -> memref<!tpu.dma_semaphore, #tpu.memory_space<semaphore_mem>>
    %dma_wait3A_428 = arith.constant 0 : i32
    %dma_wait3A_429 = tpu.memref_slice %arg4[%dma_wait3A_417, %mul3A_2, %dma_wait3A_428] : memref<50x4096x128xf32, #tpu.memory_space<hbm>> -> memref<1x128x128xf32, #tpu.memory_space<hbm>>
    %dma_wait3A_430 = tpu.memref_squeeze %dma_wait3A_429 : memref<1x128x128xf32, #tpu.memory_space<hbm>> -> memref<128x128xf32, #tpu.memory_space<hbm>>
    %dma_wait3A_431 = arith.constant 0 : i32
    %dma_wait3A_432 = arith.constant 0 : i32
    %dma_wait3A_433 = tpu.memref_slice %arg6[%dma_wait3A_416, %dma_wait3A_431, %dma_wait3A_432] : memref<6x128x128xf32, #tpu.memory_space<vmem>> -> memref<1x128x128xf32, #tpu.memory_space<vmem>>
    %dma_wait3A_434 = tpu.memref_squeeze %dma_wait3A_433 : memref<1x128x128xf32, #tpu.memory_space<vmem>> -> memref<128x128xf32, #tpu.memory_space<vmem>>
    tpu.wait_dma2 semaphore(%dma_wait3A_427 : memref<!tpu.dma_semaphore, #tpu.memory_space<semaphore_mem>>) src(%dma_wait3A_434 : memref<128x128xf32, #tpu.memory_space<vmem>>) dst(%dma_wait3A_430 : memref<128x128xf32, #tpu.memory_space<hbm>>)
    return
  }
}

</mosaic_0001>

<sc_bundles>
// kernel: kernel.3.cloned.1.call-start
scs
__scs_entry_jumppad:
0x0: {  	(pc) =	sbr.rel $0x88, $3  }
0x1: {  	(tag) =	ssettag $0x0;
	lr =	simm.s32 $0x1  }
0x2: {  	[smem:$0x3F9F] =	sst lr;
	_ =	strace $0xD0000000  }
0x3: {  	_ = 	snop  }
0x4: {  	_ = 	snop  }
0x5: {  	_ = 	snop  }
0x6: {  	_ = 	snop  }
0x7: {  	_ = 	snop  }
__scs_overlays_trampoline_lowered:
0x8: {  	[smem:$0x3FAE] =	sst s0  }
0x9: {  	[smem:$0x3FAF] =	sst s1  }
0xa: {  	[smem:$0x3FB0] =	sst s2  }
0xb: {  	[smem:$0x3FB1] =	sst s3  }
0xc: {  	[smem:$0x3FB2] =	sst s4  }
0xd: {  	[smem:$0x3FB3] =	sst s5  }
0xe: {  	[smem:$0x3FB4] =	sst s6  }
0xf: {  	[smem:$0x3FB5] =	sst s7  }
0x10: {  	[smem:$0x3FB6] =	sst s8  }
0x11: {  	[smem:$0x3FB7] =	sst s9;
	s0 =	simm.s32 @!p0 $0x0  }
0x12: {  	s1 =	sld [smem:$0x3F9D];
	s0 =	simm.s32 @p0 $0x1  }
0x13: {  	[smem:$0x3FB8] =	sst s0;
	s0 =	simm.s32 @!p1 $0x0  }
0x14: {  	s2 =	sld [smem:$0x3F9C];
	s0 =	simm.s32 @p1 $0x1  }
0x15: {  	[smem:$0x3FB9] =	sst s0;
	s0 =	simm.s32 @!p2 $0x0  }
0x16: {  	s3 =	sld [smem:$0x3FDB];
	s0 =	simm.s32 @p2 $0x1  }
0x17: {  	s4 =	simm.s32 $0x1BF5;
	[smem:$0x3FBB] =	sst s0  }
0x18: {  	s0 =	sld [smem:$0x3F9E];
	_ =	swait.ge [sflag:s4], $0x0  }
0x19: {  	s7 =	sld [smem:$0x3F9F]  }
0x1a: {  	s8 =	sadd.s32 $0xFFFFE003, lr  }
0x1b: {  	s9 =	sadd.s32 $0xFFFFFEF7, lr;
	s5 =	simm.s32 $0xFFFFFFFF;
	p2 =	slt.u32 s8, $0xFFFFF086  }
0x1c: {  	p1 =	slt.u32 s9, $0xF7A;
	s5 =	simm.s32 @!p2 $0x0  }
0x1d: {  	s5 =	simm.s32 @p1 $0x1;
	p0 =	seq.s32 s7, s2  }
0x1e: {  	s7 =	smul.u32 @!p0 $0xF7A, s2;
	p2 =	seq.s32 @!p0 s5, $0x0  }
0x1f: {  	s9 =	smul.u32 $0xF7A, s1;
	s8 =	simm.s32 @!p0 $0x1BF5;
	p2 =	por !p2, p0  }
0x20: {  	[sflag:s8] =	ssyncset.s32 @!p0 $0xFFFFF086;
	s6 =	sadd.s32 @!p0 s3, s7;
	s7 =	simm.s32 @!p0 $0x108  }
0x21: {  	s3 =	sadd.s32 s3, s9;
	s6 =	sadd.s32 @!p0 $0x88, s6;
	s7 =	simm.s32 @p2 $0x1082  }
0x22: {  	[simem:s7], [sflag:s8] =	dma.local @!p0 [hbm:s6], $0xF7A  }
0x23: {  	s9 =	sor.u32 $0xD0000000, s2;
	s6 =	simm.s32 $0x108;
	_ =	swait.ge @!p0 [sflag:s8], $0x0  }
0x24: {  	s3 =	sadd.s32 $0x88, s3;
	s6 =	simm.s32 @!p1 $0x1082;
	[sflag:s4] =	ssyncset.s32 $0xFFFFF086  }
0x25: {  	[simem:s6], [sflag:s4] =	dma.local [hbm:s3], $0xF7A  }
0x26: {  	[smem:$0x3F9F] =	sst s1;
	(tag) =	ssettag s2;
	_ =	strace s9  }
0x27: {  	s1 =	sld [smem:$0x3FAF]  }
0x28: {  	s2 =	sld [smem:$0x3FB0]  }
0x29: {  	s4 =	sld [smem:$0x3FB2]  }
0x2a: {  	p0 =	seq.s32 s5, $0x0;
	s5 =	sld [smem:$0x3FB3]  }
0x2b: {  	s6 =	sld [smem:$0x3FB4]  }
0x2c: {  	s7 =	sld [smem:$0x3FB5]  }
0x2d: {  	s3 =	simm.s32 $0x108;
	s8 =	sld [smem:$0x3FB6]  }
0x2e: {  	s3 =	simm.s32 @!p0 $0x1082;
	s9 =	sld [smem:$0x3FB7]  }
0x2f: {  	lr =	sadd.s32 s0, s3;
	s0 =	sld [smem:$0x3FAE]  }
0x30: {  	s3 =	sld [smem:$0x3FB1]  }
0x31: {  	[smem:$0x3FBA] =	sst s10  }
0x32: {  	s10 =	sld [smem:$0x3FB8];
	_ =	sdelay $0x3  }
0x33: {  	p0 =	seq.s32 s10, $0x1;
	s10 =	sld [smem:$0x3FBA];
	_ =	sdelay $0x3  }
0x34: {  	[smem:$0x3FBA] =	sst s10  }
0x35: {  	s10 =	sld [smem:$0x3FB9];
	_ =	sdelay $0x3  }
0x36: {  	p1 =	seq.s32 s10, $0x1;
	s10 =	sld [smem:$0x3FBA];
	_ =	sdelay $0x3  }
0x37: {  	[smem:$0x3FBA] =	sst s10  }
0x38: {  	s10 =	sld [smem:$0x3FBB]  }
0x39: {  	_ = 	snop;
	(pc) =	sbr.ind lr, $3  }
0x3a: {  	_ = 	snop  }
0x3b: {  	_ = 	snop  }
0x3c: {  	p2 =	seq.s32 s10, $0x1;
	s10 =	sld [smem:$0x3FBA]  }
0x3d: {  	_ =	shalt  }
0x3e: {  	_ =	shalt  }
0x3f: {  	_ =	shalt  }
0x40: {  	_ =	shalt  }
0x41: {  	_ =	shalt  }
0x42: {  	_ =	shalt  }
0x43: {  	_ =	shalt  }
0x44: {  	_ =	shalt  }
0x45: {  	_ =	shalt  }
0x46: {  	_ =	shalt  }
0x47: {  	_ =	shalt  }
0x48: {  	_ =	shalt  }
0x49: {  	_ =	shalt  }
0x4a: {  	_ =	shalt  }
0x4b: {  	_ =	shalt  }
0x4c: {  	_ =	shalt  }
0x4d: {  	_ =	shalt  }
0x4e: {  	_ =	shalt  }
0x4f: {  	_ =	shalt  }
0x50: {  	_ =	shalt  }
0x51: {  	_ =	shalt  }
0x52: {  	_ =	shalt  }
0x53: {  	_ =	shalt  }
0x54: {  	_ =	shalt  }
0x55: {  	_ =	shalt  }
0x56: {  	_ =	shalt  }
0x57: {  	_ =	shalt  }
0x58: {  	_ =	shalt  }
0x59: {  	_ =	shalt  }
0x5a: {  	_ =	shalt  }
0x5b: {  	_ =	shalt  }
0x5c: {  	_ =	shalt  }
0x5d: {  	_ =	shalt  }
0x5e: {  	_ =	shalt  }
0x5f: {  	_ =	shalt  }
0x60: {  	_ =	shalt  }
0x61: {  	_ =	shalt  }
0x62: {  	_ =	shalt  }
0x63: {  	_ =	shalt  }
0x64: {  	_ =	shalt  }
0x65: {  	_ =	shalt  }
0x66: {  	_ =	shalt  }
0x67: {  	_ =	shalt  }
0x68: {  	_ =	shalt  }
0x69: {  	_ =	shalt  }
0x6a: {  	_ =	shalt  }
0x6b: {  	_ =	shalt  }
0x6c: {  	_ =	shalt  }
0x6d: {  	_ =	shalt  }
0x6e: {  	_ =	shalt  }
0x6f: {  	_ =	shalt  }
0x70: {  	_ =	shalt  }
0x71: {  	_ =	shalt  }
0x72: {  	_ =	shalt  }
0x73: {  	_ =	shalt  }
0x74: {  	_ =	shalt  }
0x75: {  	_ =	shalt  }
0x76: {  	_ =	shalt  }
0x77: {  	_ =	shalt  }
0x78: {  	_ =	shalt  }
0x79: {  	_ =	shalt  }
0x7a: {  	_ =	shalt  }
0x7b: {  	_ =	shalt  }
0x7c: {  	_ =	shalt  }
0x7d: {  	_ =	shalt  }
0x7e: {  	_ =	shalt  }
0x7f: {  	_ =	shalt  }
0x80: {  	_ =	shalt  }
0x81: {  	_ =	shalt  }
0x82: {  	_ =	shalt  }
0x83: {  	_ =	shalt  }
0x84: {  	_ =	shalt  }
0x85: {  	_ =	shalt  }
0x86: {  	_ =	shalt  }
0x87: {  	_ =	shalt  }
.Lfunc_end0:
.L_simem_size_0:
called_computation_lowered:
.L_overlay_start_0:
0x88: {  	s2 =	sld [smem:$0x3FD9]  }
0x89: {  	s3 =	sld [smem:$0x3FFE];
	_ =	sdelay $0x1  }
0x8a: {  	s1 =	srdreg.scid  }
0x8b: {  	s0 =	sand.u32 $0x1, s1  }
0x8c: {  	s18 =	sshll.u32 s0, $0xA;
	s2 =	sadd.s32 s3, s2  }
0x8d: {  	s2 =	sadd.s32 s2, s18  }
0x8e: {  	[smem:$0x3FC6] =	sst s2  }
0x8f: {  	_ = 	snop  }
0x90: {  	s2 =	sld [smem:$0x3FC9]  }
0x91: {  	s19 =	sld [smem:$0x3FC8]  }
0x92: {  	s4 =	sld [smem:$0x3FD0];
	(tm) =	ssettm $0x1  }
0x93: {  	s5 =	sld [smem:$0x3FFB];
	_ =	sdelay $0x3  }
0x94: {  	_ =	strace s5  }
0x95: {  	s5 =	sld [smem:$0x3FFC];
	_ =	sdelay $0x3  }
0x96: {  	_ =	strace s5  }
0x97: {  	s5 =	sld [smem:$0x3FFD];
	_ =	sdelay $0x3  }
0x98: {  	_ =	strace s5  }
0x99: {  	_ =	strace $0x8FFFFFFF  }
0x9a: {  	s20 =	sld [smem:$0x3FDB];
	_ =	sdelay $0x1  }
0x9b: {  	s6 =	simm.s32 $_scs_section_size  }
0x9c: {  	s7 =	simm.s32 $_size__tile_overlayer_lowered;
	s8 =	simm.s32 $_tile_overlayer_lowered  }
0x9d: {  	s23 =	simm.s32 $0x1BFF;
	s22 =	sshll.u32 s8, $0x1;
	s5 =	sadd.s32 s6, s20  }
0x9e: {  	s9 =	simm.s32 $0x0;
	s21 =	sshll.u32 s7, $0x1;
	s7 =	sadd.s32 s22, s5  }
0x9f: {  	[timem:s9], [sflag:s23] =	dma.local [hbm:s7], s21  }
0xa0: {  	_ =	swait.ge [sflag:s23], s21  }
0xa1: {  	s6 =	ssub.s32 $0x0, s21;
	[sflag:s23] =	ssyncset.done $0x0  }
0xa2: {  	[sflag:s23] =	ssyncadd.s32 s6;
	_ =	sdelay $0x1  }
0xa3: {  	s24 =	simm.s32 $0x1B8B  }
0xa4: {  	_ =	swait.ge [sflag:s24], $0x1  }
0xa5: {  	[sflag:s24] =	ssyncset.done $0x0  }
0xa6: {  	s25 =	simm.s32 $0x1B8E;
	[sflag:s24] =	ssyncadd.s32 $0xFFFFFFFF  }
0xa7: {  	s26 =	simm.s32 $execute0_lowered;
	[smem:$0x3FD2] =	sst s25  }
0xa8: {  	s6 =	sshll.u32 s26, $0x1;
	_ =	strace $0x80000046;
	[dreg:$0x1] =	wrdreg $0xFFFFFFFF  }
0xa9: {  	s28 =	simm.s32 $_size_execute0_lowered;
	s5 =	sadd.s32 s5, s6;
	[dreg:$0x0] =	wrdreg $0x0  }
0xaa: {  	s6 =	sshll.u32 s28, $0x1;
	[dreg:$0x2] =	wrdreg s5  }
0xab: {  	[dreg:$0x3] =	wrdreg s6  }
0xac: {  	[dreg:$0x4] =	wrdreg $0xC0  }
0xad: {  	_ =	task [dreg:s9], $0x5FFFF  }
0xae: {  	[dreg:$0x1] =	wrdreg $0xFFFFFFFF  }
0xaf: {  	[dreg:$0x0] =	wrdreg $0x60  }
0xb0: {  	[dreg:$0x2] =	wrdreg s2  }
0xb1: {  	[dreg:$0x3] =	wrdreg s19  }
0xb2: {  	[dreg:$0x4] =	wrdreg s4  }
0xb3: {  	[dreg:$0x5] =	wrdreg $0x9  }
0xb4: {  	_ =	task.clear_ibuf [dreg:s9], $0x6FFFF;
	_ =	strace $0x90000046  }
0xb5: {  	s29 =	simm.s32 $0x9;
	_ =	strace $0x80000048  }
0xb6: {  	_ =	swait.ge [sflag:s29], $0x1  }
0xb7: {  	[sflag:s29] =	ssyncadd.s32 $0xFFFFFFFF  }
0xb8: {  	_ =	strace $0x90000048  }
0xb9: {  	_ =	sfence  }
0xba: {  	s30 =	sld [smem:$0x0];
	_ =	sdelay $0x2  }
0xbb: {  	s31 =	sshll.u32 s1, $0xD;
	s1 =	sshrl.u32 s1, $0x2  }
0xbc: {  	s3 =	sand.u32 $0x4000, s31;
	s1 =	sadd.s32 s1, s30  }
0xbd: {  	s0 =	sor.u32 s3, s0;
	s1 =	sshll.u32 s1, $0x11  }
0xbe: {  	s0 =	sor.u32 s1, s0  }
0xbf: {  	s0 =	sadd.s32 $0x8F2B, s0  }
0xc0: {  	[sflag:s0] =	ssyncadd.remote.s32 $0x1  }
0xc1: {  	_ =	sfence.sel $0xFFFF  }
0xc2: {  	[dreg:$0x0] =	wrdreg $0xFFFFFFFF;
	(pc) =	sbr.abs _section_cstart, $3  }
0xc3: {  	[dreg:$0x1] =	wrdreg $0xFFFFFFFF  }
0xc4: {  	_ =	task.clear_ibuf [dreg:s9], $0x2FFFF;
	_ =	strace $0x9FFFFFFF  }
0xc5: {  	(tm) =	ssettm $0x7FFFFFFF  }
tec
execute0_lowered:
.L_overlay_start_1:
0x0: {  	(tag) =	ssettag $0x1  }
0x1: {  	s0 =	rddreg [dreg:$0x0]  }
0x2: {  	s1 =	rddreg [dreg:$0x1]  }
0x3: {  	s2 =	rddreg [dreg:$0x2];
	s3 =	simm.s32 $0x0;
	s4 =	srdreg.scid  }
0x4: {  	s9 =	stileid.u32;
	s28 =	simm.s32 $0x2;
	s16 =	simm.s32 $0x9  }
0x5: {  	s18 =	simm.s32 $0x6;
	s29 =	simm.s32 $0x7;
	s30 =	simm.s32 $0x8  }
0x6: {  	[smem:$0x7FF] =	sst s3;
	s4 =	sand.u32 $0x1, s4;
	s6 =	sshll.u32 s9, $0x8  }
0x7: {  	s20 =	sshll.u32 s9, $0xF;
	s5 =	ssub.s32 $0x2, s4;
	s7 =	sshll.u32 s4, $0x7  }
0x8: {  	_ =	strace $0x80000047;
	s4 =	sshll.u32 s4, $0xE;
	s6 =	sor.u32 s7, s6  }
0x9: {  	s8 =	sshrl.u32 s5, $0x1;
	s7 =	sadd.s32 s0, s6;
	s19 =	sshll.u32 s6, $0x4  }
0xa: {  	s5 =	ssub.s32 s5, s8;
	s6 =	sadd.s32 s2, s19;
	[dreg:$0x4] =	wrdreg s7  }
0xb: {  	s0 =	sor.u32 s4, s20;
	s26 =	smax.u32 s5, $0x1;
	[dreg:$0x5] =	wrdreg s6  }
0xc: {  	s8 =	simm.s32 $0x15C00;
	s7 =	sadd.s32 $0x1000, s7;
	[dreg:$0xc] =	wrdreg s26  }
0xd: {  	s0 =	sor.u32 $0x180000, s0;
	s21 =	sadd.s32 $0x10000, s6;
	[dreg:$0x6] =	wrdreg s7  }
0xe: {  	s19 =	simm.s32 $0x80;
	s22 =	sadd.s32 $0x20000, s6;
	[dreg:$0x7] =	wrdreg s21  }
0xf: {  	s23 =	sadd.s32 $0x2F0000, s6;
	s24 =	sadd.s32 $0x300000, s6;
	[dreg:$0x8] =	wrdreg s22  }
0x10: {  	s25 =	sadd.s32 $0x310000, s6;
	s0 =	sshrl.u32 s0, $0x3;
	[dreg:$0x9] =	wrdreg s23  }
0x11: {  	s31 =	sadd.s32 $0x5000, s7;
	s6 =	simm.s32 $0x1C00;
	[dreg:$0xa] =	wrdreg s24  }
0x12: {  	s7 =	simm.s32 $0x5C00;
	s26 =	simm.s32 $0xC;
	[dreg:$0xb] =	wrdreg s25  }
0x13: {  	s23 =	sadd.s32 s0, s2;
	[dreg:$0xd] =	wrdreg s31;
	s24 =	simm.s32 $0x1  }
0x14: {  	s22 =	simm.s32 $0xA;
	s25 =	simm.s32 $0xB;
	s0 =	simm.s32 $0x0  }
.LBB2_1:
0x15: {  	s2 =	rddreg [dreg:$0x4];
	s13 =	simm.s32 $0xE  }
0x16: {  	[tilespmem:s3], [sflag:$0xE] =	stream.linear.gather [hbm4b:s2+s3], $0x400, $0x38;
	[tilespmem:$0x19C00] =	vst v63  }
0x17: {  	_ =	swait.ge [sflag:s13], $0x400  }
0x18: {  	s4 =	simm.s32 $0x8000;
	[sflag:s13] =	ssyncset.done $0x0  }
0x19: {  	s5 =	simm.s32 $0x400;
	s14 =	rddreg [dreg:$0x6];
	[sflag:s13] =	ssyncadd.s32 $0xFFFFFC00  }
0x1a: {  	[tilespmem:s5], [sflag:$0xD] =	stream.strided.gather [hbm4b:s14+s5], $0x1400, s4, s5, $0x38;
	[tilespmem:$0x19C00] =	vst v63  }
0x1b: {  	s17 =	simm.s32 $0x1800;
	s15 =	rddreg [dreg:$0xd]  }
0x1c: {  	[tilespmem:s17], [sflag:$0xD] =	stream.linear.gather [hbm4b:s15+s3], $0x100, $0x38;
	[tilespmem:$0x19C00] =	vst v63  }
0x1d: {  	_ = 	snop  }
0x1e: {  	[tilespmem:s6], [sflag:$0x1] =	stream.indirect.gather [hbm4b:s1+s19], $0x80, s3, s19, $0xb8;
	[tilespmem:$0x19C00] =	vst v63  }
0x1f: {  	_ = 	snop  }
0x20: {  	[tilespmem:s7], [sflag:$0x2] =	stream.indirect.gather [hbm4b:s1+s19], $0x80, s19, s19, $0xb8;
	[tilespmem:$0x19C00] =	vst v63  }
0x21: {  	s20 =	simm.s32 $0x100;
	s21 =	simm.s32 $0x9C00  }
0x22: {  	[tilespmem:s21], [sflag:$0x3] =	stream.indirect.gather [hbm4b:s1+s19], $0x80, s20, s19, $0xb8;
	[tilespmem:$0x19C00] =	vst v63  }
0x23: {  	_ =	swait.ge [sflag:s24], $0x4000  }
0x24: {  	[sflag:s24] =	ssyncset.done $0x0  }
0x25: {  	s15 =	simm.s32 $0x0;
	s31 =	rddreg [dreg:$0x5];
	[sflag:s24] =	ssyncadd.s32 $0xFFFFC000  }
0x26: {  	[hbm4b:s31+s3] =	stream.linear.scatter [tilespmem:s6], [sflag:$0x7], $0x4000, $0x38;
	[tilespmem:$0x19C00] =	vst v63  }
0x27: {  	s5 =	simm.s32 $0x180;
	s2 =	smul.u32 $0x2B, s15;
	s6 =	simm.s32 $0xDC00  }
0x28: {  	[tilespmem:s6], [sflag:$0x4] =	stream.indirect.gather [hbm4b:s1+s19], $0x80, s5, s19, $0xb8;
	[tilespmem:$0x19C00] =	vst v63  }
0x29: {  	s10 =	simm.s32 $0x200;
	s11 =	simm.s32 $0x11C00;
	_ =	swait.ge [sflag:s28], $0x4000  }
0x2a: {  	s17 =	simm.s32 $0x3;
	s20 =	sshrl.u32 s2, $0x1F;
	[sflag:s28] =	ssyncset.done $0x0  }
0x2b: {  	s2 =	sshrl.u32 s2, $0x8;
	s9 =	rddreg [dreg:$0x7];
	[sflag:s28] =	ssyncadd.s32 $0xFFFFC000  }
0x2c: {  	[hbm4b:s9+s3] =	stream.linear.scatter [tilespmem:s7], [sflag:$0x8], $0x4000, $0x38;
	[tilespmem:$0x19C00] =	vst v63  }
0x2d: {  	s12 =	simm.s32 $0x3;
	s4 =	smul.u32 $0x2B, s17;
	s2 =	sadd.s32 s20, s2  }
0x2e: {  	[tilespmem:s11], [sflag:$0x5] =	stream.indirect.gather [hbm4b:s1+s19], $0x80, s10, s19, $0xb8;
	[tilespmem:$0x19C00] =	vst v63  }
0x2f: {  	s14 =	simm.s32 $0x280;
	s2 =	smul.u32 $0x6, s2;
	_ =	swait.ge [sflag:s12], $0x4000  }
0x30: {  	s17 =	simm.s32 $0x8;
	s31 =	simm.s32 $0xD;
	[sflag:s12] =	ssyncset.done $0x0  }
0x31: {  	s2 =	ssub.s32 $0x0, s2;
	s13 =	rddreg [dreg:$0x8];
	[sflag:s12] =	ssyncadd.s32 $0xFFFFC000  }
0x32: {  	[hbm4b:s13+s3] =	stream.linear.scatter [tilespmem:s21], [sflag:$0x9], $0x4000, $0x38;
	[tilespmem:$0x19C00] =	vst v63  }
0x33: {  	s2 =	sshll.u32 s2, $0x18;
	s21 =	sshrl.u32 s4, $0x1F;
	s4 =	sshrl.u32 s4, $0x8  }
0x34: {  	s2 =	sshra.s32 s2, $0x18;
	s6 =	simm.s32 $0x6;
	s4 =	sadd.s32 s21, s4  }
0x35: {  	[tilespmem:s8], [sflag:$0x6] =	stream.indirect.gather [hbm4b:s1+s19], $0x80, s14, s19, $0xb8;
	[tilespmem:$0x19C00] =	vst v63  }
0x36: {  	s2 =	sadd.s32 $0x7, s2;
	s4 =	smul.u32 $0x6, s4;
	_ =	swait.ge [sflag:s31], $0x1500  }
0x37: {  	s7 =	simm.s32 $0x300;
	s9 =	simm.s32 $0x1;
	[sflag:s31] =	ssyncset.done $0x0  }
0x38: {  	s10 =	simm.s32 $0x300;
	s4 =	ssub.s32 $0x3, s4;
	[sflag:s31] =	ssyncadd.s32 $0xFFFFEB00  }
0x39: {  	s13 =	smov.u32 s23;
	s4 =	sshll.u32 s4, $0x18;
	_ =	swait.ge [sflag:s2], $0x4000  }
0x3a: {  	s8 =	simm.s32 $0x7;
	s11 =	sshra.s32 s4, $0x18;
	[sflag:s2] =	ssyncset.done $0x0  }
0x3b: {  	s4 =	sshll.u32 s11, $0x10;
	s12 =	sadd.s32 $0x1, s11;
	[sflag:s2] =	ssyncadd.s32 $0xFFFFC000  }
0x3c: {  	s5 =	sshra.s32 s4, $0x2;
	s2 =	simm.s32 $0x1;
	s4 =	smov.u32 s23  }
.LBB2_2:
0x3d: {  	s7 =	sadd.s32 $0x80, s7  }
0x3e: {  	s13 =	sadd.s32 $0x10000, s13;
	s20 =	smov.u32 s17;
	s14 =	sadd.s32 $0x1, s17  }
0x3f: {  	p0 =	sne.s32 s17, $0x31;
	s2 =	smul.u32 $0x2B, s2;
	s17 =	sadd.s32 $0xFFFFFFFD, s8  }
0x40: {  	s5 =	sor.u32 $0x1C00, s5;
	s31 =	smul.u32 $0xAB, s6;
	s21 =	sshll.u32 s17, $0x18  }
0x41: {  	s15 =	sshrl.u32 s2, $0x1F;
	s2 =	sshrl.u32 s2, $0x8;
	s21 =	sshra.s32 s21, $0x18  }
0x42: {  	s2 =	sadd.s32 s15, s2;
	s15 =	smul.u32 $0x2B, s21;
	s21 =	sshrl.u32 s31, $0xA  }
0x43: {  	s2 =	smul.u32 $0x6, s2;
	s21 =	sand.u32 $0x3F, s21;
	_ =	swait.ge [sflag:s12], $0x4000  }
0x44: {  	s31 =	sshrl.u32 s15, $0x1F;
	s15 =	sshrl.u32 s15, $0x8;
	s21 =	smul.u32 $0x6, s21  }
0x45: {  	s11 =	sadd.s32 $0x7, s11;
	s2 =	ssub.s32 s9, s2;
	s9 =	sadd.s32 s31, s15  }
0x46: {  	s2 =	sshll.u32 s2, $0x18;
	s9 =	smul.u32 $0x6, s9;
	s6 =	ssub.s32 s6, s21  }
0x47: {  	s2 =	sshra.s32 s2, $0x18;
	s6 =	sand.u32 $0xFF, s6;
	[sflag:s12] =	ssyncset.done $0x0  }
0x48: {  	s2 =	sadd.s32 $0x7, s2;
	s9 =	ssub.s32 s17, s9;
	[sflag:s12] =	ssyncadd.s32 $0xFFFFC000  }
0x49: {  	s15 =	sadd.s32 $0x1, s6;
	s9 =	sshll.u32 s9, $0x18;
	s12 =	sshll.u32 s6, $0xE  }
0x4a: {  	[hbm4b:s4+s3] =	stream.linear.scatter [tilespmem:s5], [sflag:s11], $0x4000, $0x38;
	[tilespmem:$0x19C00] =	vst v63  }
0x4b: {  	s6 =	smov.u32 s8;
	s11 =	sshra.s32 s9, $0x18;
	s4 =	sor.u32 $0x1C00, s12  }
0x4c: {  	[tilespmem:s4], [sflag:s15] =	stream.indirect.gather [hbm4b:s1+s19], $0x80, s10, s19, $0xb8;
	[tilespmem:$0x19C00] =	vst v63  }
.Ltmp0:
0x4d: {  	s17 =	smov.u32 s14;
	(pc) =	sbr.rel @p0 .LBB2_2-.Ltmp0, $4  }
0x4e: {  	s8 =	smov.u32 s20;
	s4 =	sshll.u32 s11, $0x10;
	_ =	swait.ge [sflag:s2], $0x4000  }
0x4f: {  	s9 =	sadd.s32 $0xFFFFFFFA, s8;
	s12 =	sadd.s32 $0x1, s11;
	[sflag:s2] =	ssyncset.done $0x0  }
0x50: {  	s10 =	sshll.u32 s9, $0x18;
	s5 =	sshra.s32 s4, $0x2;
	[sflag:s2] =	ssyncadd.s32 $0xFFFFC000  }
0x51: {  	s4 =	smov.u32 s13;
	s2 =	sshra.s32 s10, $0x18;
	s10 =	smov.u32 s7  }
0x52: {  	s14 =	smul.u32 $0xAB, s6;
	_ =	sdelay $0x1  }
0x53: {  	_ =	swait.ge [sflag:s12], $0x4000;
	s5 =	sor.u32 $0x1C00, s5;
	s14 =	sshrl.u32 s14, $0xA  }
0x54: {  	s2 =	smul.u32 $0x2B, s2;
	[sflag:s12] =	ssyncset.done $0x0;
	s31 =	sand.u32 $0x3F, s14  }
0x55: {  	s11 =	sadd.s32 $0x7, s11;
	[sflag:s12] =	ssyncadd.s32 $0xFFFFC000;
	s12 =	smul.u32 $0x6, s31  }
0x56: {  	[hbm4b:s4+s3] =	stream.linear.scatter [tilespmem:s5], [sflag:s11], $0x4000, $0x38;
	[tilespmem:$0x19C00] =	vst v63  }
0x57: {  	s17 =	sadd.s32 $0xFFFFFFFD, s8;
	s14 =	ssub.s32 s6, s12  }
0x58: {  	s21 =	sshrl.u32 s2, $0x1F;
	s2 =	sshrl.u32 s2, $0x8;
	s4 =	sand.u32 $0xFF, s14  }
0x59: {  	s20 =	sshll.u32 s17, $0x18;
	s2 =	sadd.s32 s21, s2;
	s15 =	sshll.u32 s4, $0xE  }
0x5a: {  	s2 =	smul.u32 $0x6, s2;
	s4 =	sadd.s32 $0x1, s4;
	s5 =	sor.u32 $0x1C00, s15  }
0x5b: {  	[tilespmem:s5], [sflag:s4] =	stream.indirect.gather [hbm4b:s1+s19], $0x80, s10, s19, $0xb8;
	[tilespmem:$0x19C00] =	vst v63  }
0x5c: {  	s2 =	ssub.s32 s9, s2;
	s5 =	sshra.s32 s20, $0x18  }
0x5d: {  	s2 =	sshll.u32 s2, $0x18;
	s5 =	smul.u32 $0x2B, s5  }
0x5e: {  	s2 =	sshra.s32 s2, $0x18  }
0x5f: {  	s2 =	sadd.s32 $0x7, s2;
	s31 =	sshrl.u32 s5, $0x1F;
	s5 =	sshrl.u32 s5, $0x8  }
0x60: {  	s11 =	smul.u32 $0xAB, s8;
	_ =	swait.ge [sflag:s2], $0x4000;
	s5 =	sadd.s32 s31, s5  }
0x61: {  	[sflag:s2] =	ssyncset.done $0x0;
	s5 =	smul.u32 $0x6, s5  }
0x62: {  	[sflag:s2] =	ssyncadd.s32 $0xFFFFC000;
	s2 =	sshrl.u32 s11, $0xA  }
0x63: {  	s2 =	sand.u32 $0x3F, s2;
	s4 =	ssub.s32 s17, s5  }
0x64: {  	s2 =	smul.u32 $0x6, s2;
	s4 =	sshll.u32 s4, $0x18  }
0x65: {  	s4 =	sshra.s32 s4, $0x18  }
0x66: {  	s13 =	sadd.s32 $0x10000, s13;
	s2 =	ssub.s32 s8, s2;
	s10 =	sadd.s32 $0x1, s4  }
0x67: {  	s2 =	sand.u32 $0xFF, s2;
	s12 =	sshll.u32 s4, $0x10;
	_ =	swait.ge [sflag:s10], $0x4000  }
0x68: {  	s14 =	sshll.u32 s2, $0xE;
	s5 =	sshra.s32 s12, $0x2;
	[sflag:s10] =	ssyncset.done $0x0  }
0x69: {  	s4 =	sadd.s32 $0x7, s4;
	s5 =	sor.u32 $0x1C00, s5;
	[sflag:s10] =	ssyncadd.s32 $0xFFFFC000  }
0x6a: {  	[hbm4b:s13+s3] =	stream.linear.scatter [tilespmem:s5], [sflag:s4], $0x4000, $0x38;
	[tilespmem:$0x19C00] =	vst v63  }
0x6b: {  	s15 =	sadd.s32 $0x80, s7;
	s2 =	sadd.s32 $0x1, s2;
	s4 =	sor.u32 $0x1C00, s14  }
0x6c: {  	[tilespmem:s4], [sflag:s2] =	stream.indirect.gather [hbm4b:s1+s19], $0x80, s15, s19, $0xb8;
	[tilespmem:$0x19C00] =	vst v63  }
0x6d: {  	_ =	swait.ge [sflag:s16], $0x4000  }
0x6e: {  	[sflag:s16] =	ssyncset.done $0x0  }
0x6f: {  	[sflag:s16] =	ssyncadd.s32 $0xFFFFC000  }
0x70: {  	_ =	swait.ge [sflag:s18], $0x4000  }
0x71: {  	[sflag:s18] =	ssyncset.done $0x0  }
0x72: {  	s8 =	simm.s32 $0x15C00;
	s17 =	rddreg [dreg:$0x9];
	[sflag:s18] =	ssyncadd.s32 $0xFFFFC000  }
0x73: {  	[hbm4b:s17+s3] =	stream.linear.scatter [tilespmem:s8], [sflag:$0xC], $0x4000, $0x38;
	[tilespmem:$0x19C00] =	vst v63  }
0x74: {  	_ =	swait.ge [sflag:s22], $0x4000  }
0x75: {  	[sflag:s22] =	ssyncset.done $0x0  }
0x76: {  	[sflag:s22] =	ssyncadd.s32 $0xFFFFC000  }
0x77: {  	_ =	swait.ge [sflag:s24], $0x4000  }
0x78: {  	[sflag:s24] =	ssyncset.done $0x0  }
0x79: {  	s6 =	simm.s32 $0x1C00;
	s20 =	rddreg [dreg:$0xa];
	[sflag:s24] =	ssyncadd.s32 $0xFFFFC000  }
0x7a: {  	[hbm4b:s20+s3] =	stream.linear.scatter [tilespmem:s6], [sflag:$0x7], $0x4000, $0x38;
	[tilespmem:$0x19C00] =	vst v63  }
0x7b: {  	_ =	swait.ge [sflag:s25], $0x4000  }
0x7c: {  	[sflag:s25] =	ssyncset.done $0x0  }
0x7d: {  	[sflag:s25] =	ssyncadd.s32 $0xFFFFC000  }
0x7e: {  	_ =	swait.ge [sflag:s28], $0x4000  }
0x7f: {  	[sflag:s28] =	ssyncset.done $0x0  }
0x80: {  	s7 =	simm.s32 $0x5C00;
	s21 =	rddreg [dreg:$0xb];
	[sflag:s28] =	ssyncadd.s32 $0xFFFFC000  }
0x81: {  	[hbm4b:s21+s3] =	stream.linear.scatter [tilespmem:s7], [sflag:$0x8], $0x4000, $0x38;
	[tilespmem:$0x19C00] =	vst v63  }
0x82: {  	_ =	swait.ge [sflag:s26], $0x4000  }
0x83: {  	[sflag:s26] =	ssyncset.done $0x0  }
0x84: {  	[sflag:s26] =	ssyncadd.s32 $0xFFFFC000  }
0x85: {  	_ =	swait.ge [sflag:s29], $0x4000  }
0x86: {  	[sflag:s29] =	ssyncset.done $0x0  }
0x87: {  	[sflag:s29] =	ssyncadd.s32 $0xFFFFC000  }
0x88: {  	_ =	swait.ge [sflag:s30], $0x4000  }
0x89: {  	s0 =	sadd.s32 $0x1, s0;
	s31 =	rddreg [dreg:$0xc]  }
0x8a: {  	p0 =	sne.s32 s0, s31  }
.Ltmp1:
0x8b: {  	_ = 	snop;
	(pc) =	sbr.rel @p0 .LBB2_1-.Ltmp1, $3  }
0x8c: {  	_ =	sdelay $0x1  }
0x8d: {  	[sflag:s30] =	ssyncset.done $0x0  }
0x8e: {  	[sflag:s30] =	ssyncadd.s32 $0xFFFFC000  }
0x8f: {  	_ =	sfence.sel $0x180000  }
0x90: {  	[bflag:$0x0] =	sbarrier.arrive $0xFFFF  }
0x91: {  	_ =	strace $0x90000047  }
0x92: {  	s0 =	stileid.u32;
	[bflag:$0x2] =	sbarrier.arrive $0xFFFF  }
0x93: {  	p0 =	sne.s32 s0, $0x0;
	s0 =	rddreg [dreg:$0x3]  }
0x94: {  	s0 =	sadd.s32 @!p0 $0x100000, s0  }
0x95: {  	[sflag:s0] =	ssyncadd.tile.s32 @!p0 $0x1;
	_ =	shalt  }
.Lfunc_end2:
_tile_overlayer_lowered:
.L_overlay_start_2:
0x96: {  	(tag) =	ssettag $0x2  }
0x97: {  	s0 =	rddreg [dreg:$0x0];
	s2 =	stileid.u32  }
0x98: {  	s1 =	rddreg [dreg:$0x1];
	p0 =	sne.s32 s2, $0x0  }
0x99: {  	s3 =	rddreg [dreg:$0x2];
	[bflag:$0x3] =	sbarrier.arrive $0xFFFF;
	s2 =	simm.s32 @!p0 $0x1C0E  }
0x9a: {  	[timem:s3], [sflag:s2] =	dma.local @!p0 [hbm:s0], s1  }
0x9b: {  	s0 =	simm.s32 @!p0 $0xE  }
0x9c: {  	_ =	swait.ge @!p0 [sflag:s0], s1  }
0x9d: {  	s1 =	ssub.s32 @!p0 $0x0, s1;
	[sflag:s0] =	ssyncset.done @!p0 $0x0  }
0x9e: {  	[sflag:s0] =	ssyncadd.s32 @!p0 s1  }
0x9f: {  	[bflag:$0x3] =	sbarrier.arrive $0xFFFF  }
0xa0: {  	_ =	shalt  }

</sc_bundles>
